<compile_context>
chip_gen: v7x
topology: tpu7x:2x2x1
jax: 0.10.2.dev20260603
libtpu: 0.0.44.dev20260713+nightly
codegen_flags: <defaults>
</compile_context>

<pallas_src>
import functools

import jax
import jax.numpy as jnp
from jax import lax
from jax.experimental import pallas as pl
from jax.experimental.pallas import tpu as pltpu
from jax.experimental.pallas import tpu_sc as plsc

B, N_IMG, N_TXT, D, Q = 4, 21760, 256, 256, 900
BN = 1280
NBLK = N_IMG // BN
NR, NL = 170, 128
QP = 1024
_HI = lax.Precision.HIGHEST
_DF = lax.Precision.DEFAULT



def _proj_body(img_ref, w_ref, p_ref, out_ref):
    out_ref[0] = jnp.dot(img_ref[0], w_ref[...], precision=_DF) + p_ref[0:1, :]


def _sim_body(x_ref, mu_ref, var_ref, txt_ref, p_ref, tmask_ref, imask_ref,
              out_ref):
    x = x_ref[0]
    mu = mu_ref[0, 0][:, None]
    var = var_ref[0, 0][:, None]
    x = (x - mu) / jnp.sqrt(var + 1e-5) * p_ref[1:2, :] + p_ref[2:3, :]
    s = lax.dot_general(x, txt_ref[0], (((1,), (1,)), ((), ())), precision=_DF)
    s = jnp.where(tmask_ref[0] > 0, s, -1e9)
    m = jnp.max(s, axis=-1)
    m = jnp.where(imask_ref[0, 0] > 0, m, -1e9)
    out_ref[0, 0, :] = m


def _max_sim(img_feat, txt_feat, W_proj, b_proj, params, tmaskf, imaskf):
    x0 = pl.pallas_call(
        _proj_body,
        grid=(B, NBLK),
        in_specs=[
            pl.BlockSpec((1, BN, D), lambda b, n: (b, n, 0)),
            pl.BlockSpec((D, D), lambda b, n: (0, 0)),
            pl.BlockSpec((8, D), lambda b, n: (0, 0)),
        ],
        out_specs=pl.BlockSpec((1, BN, D), lambda b, n: (b * NBLK + n, 0, 0)),
        out_shape=jax.ShapeDtypeStruct((B * NBLK, BN, D), jnp.float32),
    )(img_feat, W_proj, params)
    x0r = img_feat @ W_proj + b_proj
    mu = jnp.mean(x0r, axis=-1)
    var = jnp.mean((x0r - mu[..., None]) ** 2, axis=-1)
    out = pl.pallas_call(
        _sim_body,
        grid=(B, NBLK),
        in_specs=[
            pl.BlockSpec((1, BN, D), lambda b, n: (b * NBLK + n, 0, 0)),
            pl.BlockSpec((1, 1, BN), lambda b, n: (b * NBLK + n, 0, 0)),
            pl.BlockSpec((1, 1, BN), lambda b, n: (b * NBLK + n, 0, 0)),
            pl.BlockSpec((1, N_TXT, D), lambda b, n: (b, 0, 0)),
            pl.BlockSpec((8, D), lambda b, n: (0, 0)),
            pl.BlockSpec((1, 1, N_TXT), lambda b, n: (b, 0, 0)),
            pl.BlockSpec((1, 1, BN), lambda b, n: (b * NBLK + n, 0, 0)),
        ],
        out_specs=pl.BlockSpec((1, 1, BN), lambda b, n: (b * NBLK + n, 0, 0)),
        out_shape=jax.ShapeDtypeStruct((B * NBLK, 1, BN), jnp.float32),
    )(x0, mu.reshape(B * NBLK, 1, BN), var.reshape(B * NBLK, 1, BN),
      txt_feat, params, tmaskf, imaskf)
    return out.reshape(B, N_IMG)



def _excl_cumsum(m, u_lane, l_row, ones_col):
    within = jnp.dot(m, u_lane, precision=_HI)
    rowsum = jnp.dot(m, ones_col, precision=_HI)
    rowoff = jnp.dot(l_row, rowsum, precision=_HI)
    return rowoff + within


def _select_body(ms_ref, out_ref):
    v = ms_ref[0]
    bits = lax.bitcast_convert_type(v, jnp.int32)
    key = jnp.where(bits >= 0, bits, bits ^ jnp.int32(0x7FFFFFFF))

    cnt_nn = jnp.sum((key >= 0).astype(jnp.float32))
    t0 = jnp.where(cnt_nn >= Q, jnp.int32(0), jnp.int32(-2147483648))

    def step(t, T):
        bit = jnp.int32(30) - t
        cand = T | lax.shift_left(jnp.int32(1), bit)
        cnt = jnp.sum((key >= cand).astype(jnp.float32))
        return jnp.where(cnt >= Q, cand, T)

    T = lax.fori_loop(0, 31, step, t0)

    i0 = lax.broadcasted_iota(jnp.int32, (NL, NL), 0)
    i1 = lax.broadcasted_iota(jnp.int32, (NL, NL), 1)
    u_lane = (i0 < i1).astype(jnp.float32)
    r0 = lax.broadcasted_iota(jnp.int32, (NR, NR), 0)
    r1 = lax.broadcasted_iota(jnp.int32, (NR, NR), 1)
    l_row = (r1 < r0).astype(jnp.float32)
    ones_col = jnp.ones((NL, 1), jnp.float32)

    gt = key > T
    eq = key == T
    cgt = jnp.sum(gt.astype(jnp.float32))
    need = jnp.float32(Q) - cgt
    eqpos = _excl_cumsum(eq.astype(jnp.float32), u_lane, l_row, ones_col)
    sel = gt | (eq & (eqpos < need))
    spos = _excl_cumsum(sel.astype(jnp.float32), u_lane, l_row, ones_col)
    out_ref[0] = jnp.where(sel, spos, -1.0)


def _select(ms3):
    return pl.pallas_call(
        _select_body,
        grid=(B,),
        in_specs=[pl.BlockSpec((1, NR, NL), lambda b: (b, 0, 0))],
        out_specs=pl.BlockSpec((1, NR, NL), lambda b: (b, 0, 0)),
        out_shape=jax.ShapeDtypeStruct((B, NR, NL), jnp.float32),
    )(ms3)



def _compact_body(pos_hbm, val_hbm, cx_hbm, cy_hbm,
                  oidx_hbm, oval_hbm, ocx_hbm, ocy_hbm,
                  pos_v, val_v, cx_v, cy_v, sidx_v, sval_v, scx_v, scy_v):
    wid = lax.axis_index("s") * 2 + lax.axis_index("c")

    @pl.when(wid < B)
    def _():
        pltpu.sync_copy(pos_hbm.at[wid], pos_v)
        pltpu.sync_copy(val_hbm.at[wid], val_v)
        pltpu.sync_copy(cx_hbm.at[wid], cx_v)
        pltpu.sync_copy(cy_hbm.at[wid], cy_v)

        def init(i, c):
            z = jnp.zeros((16,), jnp.float32)
            sidx_v[pl.ds(i * 16, 16)] = z
            sval_v[pl.ds(i * 16, 16)] = jnp.full((16,), -3.0e38, jnp.float32)
            scx_v[pl.ds(i * 16, 16)] = z
            scy_v[pl.ds(i * 16, 16)] = z
            return c

        lax.fori_loop(0, QP // 16, init, 0)

        def step(j, c):
            sl = pl.ds(j * 16, 16)
            pv = pos_v[sl]
            m = pv >= 0.0
            pi = pv.astype(jnp.int32)
            gi = (lax.iota(jnp.int32, 16) + j * 16).astype(jnp.float32)
            plsc.store_scatter(sidx_v, [pi], gi, mask=m)
            plsc.store_scatter(sval_v, [pi], val_v[sl], mask=m)
            plsc.store_scatter(scx_v, [pi], cx_v[sl], mask=m)
            plsc.store_scatter(scy_v, [pi], cy_v[sl], mask=m)
            return c

        lax.fori_loop(0, N_IMG // 16, step, 0)
        pltpu.sync_copy(sidx_v, oidx_hbm.at[wid])
        pltpu.sync_copy(sval_v, oval_hbm.at[wid])
        pltpu.sync_copy(scx_v, ocx_hbm.at[wid])
        pltpu.sync_copy(scy_v, ocy_hbm.at[wid])


@functools.cache
def _compact_kernel():
    return pl.kernel(
        _compact_body,
        out_type=tuple(jax.ShapeDtypeStruct((B, QP), jnp.float32)
                       for _ in range(4)),
        mesh=plsc.VectorSubcoreMesh(core_axis_name="c", subcore_axis_name="s"),
        compiler_params=pltpu.CompilerParams(needs_layout_passes=False),
        scratch_types=[pltpu.VMEM((N_IMG,), jnp.float32)] * 4
                      + [pltpu.VMEM((QP,), jnp.float32)] * 4,
    )


def _compact(posneg, ms, coorx, coory):
    return _compact_kernel()(posneg, ms, coorx, coory)



def _rank_body(sidx_ref, sval_ref, scx_ref, scy_ref,
               oflat_ref, oidx_ref, oval_ref, ocx_ref, ocy_ref):
    vrow = sval_ref[0]
    irow = sidx_ref[0]
    e0 = lax.broadcasted_iota(jnp.int32, (QP, QP), 0)
    e1 = lax.broadcasted_iota(jnp.int32, (QP, QP), 1)
    ident = (e0 == e1).astype(jnp.float32)
    cdims = (((1,), (1,)), ((), ()))
    vcol = lax.dot_general(ident, vrow, cdims, precision=_HI)
    icol = lax.dot_general(ident, irow, cdims, precision=_HI)
    beat = ((vcol > vrow) | ((vcol == vrow) & (icol < irow))).astype(jnp.float32)
    ones_row = jnp.ones((1, QP), jnp.float32)
    r = lax.dot_general(ones_row, beat, (((1,), (0,)), ((), ())), precision=_HI)
    qcol = lax.broadcasted_iota(jnp.int32, (QP, 1), 0).astype(jnp.float32)
    perm = (r == qcol).astype(jnp.float32)
    pdims = (((1,), (0,)), ((), ()))
    oidxcol = lax.dot_general(perm, icol, pdims, precision=_HI)
    ovalcol = lax.dot_general(perm, vcol, pdims, precision=_HI)
    cxcol = lax.dot_general(ident, scx_ref[0], cdims, precision=_HI)
    cycol = lax.dot_general(ident, scy_ref[0], cdims, precision=_HI)
    ocx_ref[0] = lax.dot_general(perm, cxcol, pdims, precision=_HI)
    ocy_ref[0] = lax.dot_general(perm, cycol, pdims, precision=_HI)
    oidxcol = jnp.clip(oidxcol, 0.0, float(N_IMG - 1))
    orow = lax.dot_general(oidxcol, ident, (((0,), (0,)), ((), ())), precision=_HI)
    b = pl.program_id(0)
    oflat_ref[0, 0, :] = orow[0].astype(jnp.int32) + b * N_IMG
    oidx_ref[0] = oidxcol.astype(jnp.int32)
    oval_ref[0] = ovalcol


def _rank(sidx3, sval3, scx3, scy3):
    return pl.pallas_call(
        _rank_body,
        grid=(B,),
        in_specs=[pl.BlockSpec((1, 1, QP), lambda b: (b, 0, 0))] * 4,
        out_specs=[
            pl.BlockSpec((1, 1, QP), lambda b: (b, 0, 0)),
            pl.BlockSpec((1, QP, 1), lambda b: (b, 0, 0)),
            pl.BlockSpec((1, QP, 1), lambda b: (b, 0, 0)),
            pl.BlockSpec((1, QP, 1), lambda b: (b, 0, 0)),
            pl.BlockSpec((1, QP, 1), lambda b: (b, 0, 0)),
        ],
        out_shape=[
            jax.ShapeDtypeStruct((B, 1, QP), jnp.int32),
            jax.ShapeDtypeStruct((B, QP, 1), jnp.int32),
            jax.ShapeDtypeStruct((B, QP, 1), jnp.float32),
            jax.ShapeDtypeStruct((B, QP, 1), jnp.float32),
            jax.ShapeDtypeStruct((B, QP, 1), jnp.float32),
        ],
    )(sidx3, sval3, scx3, scy3)



_ROWS_PER_W = (B * QP) // 32


def _gather_body(feat_hbm, flat_hbm, ofeat_hbm, idx_v, feat_v, sem1):
    wid = lax.axis_index("s") * 2 + lax.axis_index("c")
    base = wid * _ROWS_PER_W
    pltpu.sync_copy(flat_hbm.at[pl.ds(base, _ROWS_PER_W)], idx_v)
    pltpu.async_copy(feat_hbm.at[idx_v], feat_v, sem1).wait()
    pltpu.sync_copy(feat_v, ofeat_hbm.at[pl.ds(base, _ROWS_PER_W)])


@functools.cache
def _gather_kernel():
    return pl.kernel(
        _gather_body,
        out_type=jax.ShapeDtypeStruct((B * QP, D), jnp.float32),
        mesh=plsc.VectorSubcoreMesh(core_axis_name="c", subcore_axis_name="s"),
        scratch_types=[
            pltpu.VMEM((_ROWS_PER_W,), jnp.int32),
            pltpu.VMEM((_ROWS_PER_W, D), jnp.float32),
            pltpu.SemaphoreType.DMA,
        ],
    )


def _gather(feat2d, flat):
    return _gather_kernel()(feat2d, flat)



def _final_body(feat_ref, oidx_ref, oval_ref, ocx_ref, ocy_ref, txt_ref,
                tmask_ref, wp_ref, w1_ref, w2_ref, w3_ref, p_ref,
                enc_ref, sig_ref, raw_ref):
    f = feat_ref[0]
    x = jnp.dot(f, wp_ref[...], precision=_DF) + p_ref[0:1, :]
    mu = jnp.mean(x, axis=-1, keepdims=True)
    var = jnp.mean((x - mu) ** 2, axis=-1, keepdims=True)
    x = (x - mu) / jnp.sqrt(var + 1e-5) * p_ref[1:2, :] + p_ref[2:3, :]
    s = lax.dot_general(x, txt_ref[0], (((1,), (1,)), ((), ())), precision=_DF)
    s = jnp.where(tmask_ref[0] > 0, s, -1e9)
    bad = oval_ref[0] == -1e9
    enc_ref[0] = jnp.where(bad, -1e9, s)

    h = jax.nn.relu(jnp.dot(x, w1_ref[...], precision=_DF) + p_ref[3:4, :])
    h = jax.nn.relu(jnp.dot(h, w2_ref[...], precision=_DF) + p_ref[4:5, :])
    upd = jnp.dot(h, w3_ref[...], precision=_DF) + p_ref[5:6, 0:4]

    idxf = oidx_ref[0].astype(jnp.float32)
    lvl = ((idxf >= p_ref[6:7, 0:1]).astype(jnp.float32)
           + (idxf >= p_ref[6:7, 1:2]).astype(jnp.float32)
           + (idxf >= p_ref[6:7, 2:3]).astype(jnp.float32))
    two_lvl = jnp.where(lvl == 0, 1.0,
                        jnp.where(lvl == 1, 2.0,
                                  jnp.where(lvl == 2, 4.0, 8.0)))
    wh = jnp.float32(0.05) * two_lvl
    cx = ocx_ref[0]
    cy = ocy_ref[0]
    ci = lax.broadcasted_iota(jnp.int32, (QP, 4), 1)
    bb = jnp.where(ci == 0, cx, jnp.where(ci == 1, cy, wh))
    bb = jnp.clip(bb, 0.01, 0.99)
    q = jnp.log(bb / (1.0 - bb)) + upd
    sig_ref[0] = jax.nn.sigmoid(q)
    raw_ref[0] = q


def _final(selfeat, oidxc, ovalc, ocxc, ocyc, txt_feat, tmaskf,
           W_proj, W1, W2, W3, params):
    return pl.pallas_call(
        _final_body,
        grid=(B,),
        in_specs=[
            pl.BlockSpec((1, QP, D), lambda b: (b, 0, 0)),
            pl.BlockSpec((1, QP, 1), lambda b: (b, 0, 0)),
            pl.BlockSpec((1, QP, 1), lambda b: (b, 0, 0)),
            pl.BlockSpec((1, QP, 1), lambda b: (b, 0, 0)),
            pl.BlockSpec((1, QP, 1), lambda b: (b, 0, 0)),
            pl.BlockSpec((1, N_TXT, D), lambda b: (b, 0, 0)),
            pl.BlockSpec((1, 1, N_TXT), lambda b: (b, 0, 0)),
            pl.BlockSpec((D, D), lambda b: (0, 0)),
            pl.BlockSpec((D, D), lambda b: (0, 0)),
            pl.BlockSpec((D, D), lambda b: (0, 0)),
            pl.BlockSpec((D, 4), lambda b: (0, 0)),
            pl.BlockSpec((8, D), lambda b: (0, 0)),
        ],
        out_specs=[
            pl.BlockSpec((1, QP, N_TXT), lambda b: (b, 0, 0)),
            pl.BlockSpec((1, QP, 4), lambda b: (b, 0, 0)),
            pl.BlockSpec((1, QP, 4), lambda b: (b, 0, 0)),
        ],
        out_shape=[
            jax.ShapeDtypeStruct((B, QP, N_TXT), jnp.float32),
            jax.ShapeDtypeStruct((B, QP, 4), jnp.float32),
            jax.ShapeDtypeStruct((B, QP, 4), jnp.float32),
        ],
    )(selfeat, oidxc, ovalc, ocxc, ocyc, txt_feat, tmaskf, W_proj, W1, W2, W3, params)



def kernel(img_feat, img_mask, img_coor, img_shapes, txt_feat, txt_mask,
           W_proj, b_proj, ln_g, ln_b, cls_init,
           W1, b1, W2, b2, W3, b3):
    params = jnp.zeros((8, D), jnp.float32)
    params = (params.at[0].set(b_proj).at[1].set(ln_g).at[2].set(ln_b)
              .at[3].set(b1).at[4].set(b2)
              .at[5, 0:4].set(b3))
    cums = jnp.cumsum(jnp.prod(img_shapes, axis=-1)).astype(jnp.float32)
    params = params.at[6, 0:3].set(cums[0:3])
    tmaskf = txt_mask.astype(jnp.float32).reshape(B, 1, N_TXT)
    imaskf = img_mask.astype(jnp.float32).reshape(B * NBLK, 1, BN)

    ms = _max_sim(img_feat, txt_feat, W_proj, b_proj, params, tmaskf, imaskf)
    posneg = _select(ms.reshape(B, NR, NL))
    coorx = img_coor[:, :, 0]
    coory = img_coor[:, :, 1]
    sidx, sval, scx, scy = _compact(posneg.reshape(B, N_IMG), ms, coorx, coory)
    oflat, oidxc, ovalc, ocxc, ocyc = _rank(
        sidx.reshape(B, 1, QP), sval.reshape(B, 1, QP),
        scx.reshape(B, 1, QP), scy.reshape(B, 1, QP))
    selfeat = _gather(img_feat.reshape(B * N_IMG, D), oflat.reshape(B * QP))
    enc, sig, raw = _final(selfeat.reshape(B, QP, D),
                           oidxc, ovalc, ocxc, ocyc, txt_feat, tmaskf,
                           W_proj, W1, W2, W3, params)

    query_cls = jnp.broadcast_to(cls_init[None], (B, Q, D))
    out_mask = jnp.zeros((B, Q), dtype=jnp.bool_)
    att_mask = jnp.zeros((B, Q, Q), dtype=jnp.bool_)
    return (enc[:, :Q], sig[:, :Q], out_mask, query_cls,
            lax.stop_gradient(raw[:, :Q]), att_mask)

# --- scband reference (transcript-rebuilt; emitter-appended) ---
"""Pipeline reference for scband-query-selector-77163382440611 (READ-ONLY COPY).

The authoritative reference and input builder live on the scoring server;
editing this copy changes nothing except your own understanding.
"""

import jax, jax.numpy as jnp
import numpy as np

B, N_IMG, N_TXT, D, Q = 4, 21760, 256, 256, 900

def setup_inputs(seed: int = 0):
    key = jax.random.key(seed)
    ks = jax.random.split(key, 12)
    shapes = np.array([[128, 128], [64, 64], [32, 32], [16, 16]], dtype=np.int32)
    return {
        "img_feat": jax.random.normal(ks[0], (B, N_IMG, D), jnp.float32),
        "img_mask": jnp.ones((B, N_IMG), dtype=jnp.bool_),
        "img_coor": jax.random.uniform(ks[1], (B, N_IMG, 2), dtype=jnp.float32),
        "img_shapes": jnp.asarray(shapes),
        "txt_feat": jax.random.normal(ks[2], (B, N_TXT, D), jnp.float32),
        "txt_mask": jnp.ones((B, N_TXT), dtype=jnp.bool_),
        "W_proj": jax.random.normal(ks[3], (D, D), jnp.float32) * 0.02,
        "b_proj": jnp.zeros((D,), jnp.float32),
        "ln_g": jnp.ones((D,), jnp.float32),
        "ln_b": jnp.zeros((D,), jnp.float32),
        "cls_init": jax.random.normal(ks[4], (Q, D), jnp.float32),
        "W1": jax.random.normal(ks[5], (D, D), jnp.float32) * 0.02,
        "b1": jnp.zeros((D,), jnp.float32),
        "W2": jax.random.normal(ks[6], (D, D), jnp.float32) * 0.02,
        "b2": jnp.zeros((D,), jnp.float32),
        "W3": jnp.zeros((D, 4), jnp.float32),
        "b3": jnp.zeros((4,), jnp.float32),
    }

def _layernorm(x, g, b, eps=1e-5):
    mu = jnp.mean(x, axis=-1, keepdims=True)
    var = jnp.mean((x - mu) ** 2, axis=-1, keepdims=True)
    return (x - mu) / jnp.sqrt(var + eps) * g + b

def _initial_bbox(img_coor, img_shapes):
    level_sizes = jnp.prod(img_shapes, axis=-1)
    cum_sizes = jnp.cumsum(level_sizes)
    n = img_coor.shape[1]
    level_idx = jnp.searchsorted(cum_sizes, jnp.arange(n, dtype=cum_sizes.dtype), side='right')
    wh_flat = (0.05 * (2.0 ** level_idx.astype(jnp.float32))).astype(jnp.float32)
    wh = jnp.broadcast_to(wh_flat[None, :, None], (img_coor.shape[0], n, 2))
    bbox = jnp.concatenate([img_coor, wh], axis=-1)
    bbox = jnp.clip(bbox, 0.01, 0.99)
    return jnp.log(bbox / (1.0 - bbox))

def reference(img_feat, img_mask, img_coor, img_shapes, txt_feat, txt_mask, W_proj, b_proj, ln_g, ln_b, cls_init, W1, b1, W2, b2, W3, b3):
    # input_proj: Linear + LayerNorm
    x = img_feat @ W_proj + b_proj
    x = _layernorm(x, ln_g, ln_b)
    # ContrastiveClassEmbedding: img-text similarity logits, masked positions -> -inf
    enc_cls = jnp.einsum('bnd,btd->bnt', x, txt_feat)
    enc_cls = jnp.where(txt_mask[:, None, :], enc_cls, -1e9)
    enc_cls = jnp.where(img_mask[:, :, None], enc_cls, -1e9)
    # top-k query selection by max similarity over text tokens
    max_sim = jnp.max(enc_cls, axis=-1)
    _, topk_idx = jax.lax.top_k(max_sim, Q)
    # bbox proposals + zero-init MLP update head
    bbox_init = _initial_bbox(img_coor, img_shapes)
    h = jax.nn.relu(x @ W1 + b1)
    h = jax.nn.relu(h @ W2 + b2)
    bbox_update = h @ W3 + b3
    query_bbox = bbox_init + bbox_update
    # gather selected queries
    enc_topk = jnp.take_along_axis(enc_cls, jnp.broadcast_to(topk_idx[:, :, None], (B, Q, N_TXT)), axis=1)
    bbox_topk = jnp.take_along_axis(query_bbox, jnp.broadcast_to(topk_idx[:, :, None], (B, Q, 4)), axis=1)
    query_cls = jnp.broadcast_to(cls_init[None], (B, Q, D))
    out_mask = jnp.zeros((B, Q), dtype=jnp.bool_)
    att_mask = jnp.zeros((B, Q, Q), dtype=jnp.bool_)
    return (enc_topk, jax.nn.sigmoid(bbox_topk), out_mask, query_cls, jax.lax.stop_gradient(bbox_topk), att_mask)

if __name__ == "__main__":
    import jax
    _d = setup_inputs()
    print(jax.jit(kernel)(*tuple(_d.values())))

</pallas_src>

<mosaic_0001>
#map = affine_map<(d0, d1) -> (0, 0)>
#map1 = affine_map<(d0, d1) -> (0)>
module attributes {stable_mosaic.version = 14 : i64} {
  func.func @_gather_body(%arg0: i32, %arg1: i32, %arg2: memref<87040x256xf32, #tpu.memory_space<hbm>>, %arg3: memref<4096xi32, #tpu.memory_space<hbm>>, %arg4: memref<4096x256xf32, #tpu.memory_space<hbm>>, %arg5: memref<128xi32, #tpu.memory_space<vmem>>, %arg6: memref<128x256xf32, #tpu.memory_space<vmem>>, %arg7: memref<!tpu.dma_semaphore, #tpu.memory_space<semaphore_mem>>) attributes {dimension_semantics = [#tpu.dimension_semantics<core_parallel>, #tpu.dimension_semantics<subcore_parallel>], iteration_bounds = array<i64: 2, 16>, scalar_prefetch = 0 : i64, scratch_operands = 3 : i64, tpu.core_type = #tpu.core_type<sc_vector_subcore>, window_params = [{transform_indices = #map}, {transform_indices = #map1}, {transform_indices = #map}]} {
    %mul3A = arith.constant 2 : i32
    %mul3A_0 = arith.muli %arg1, %mul3A : i32
    %add3A = arith.addi %mul3A_0, %arg0 : i32
    %mul3A_1 = arith.constant 128 : i32
    %mul3A_2 = arith.muli %add3A, %mul3A_1 : i32
    "tpu.region"() ({
      %run_scoped3A = tpu.sem_alloc : memref<!tpu.dma_semaphore, #tpu.memory_space<semaphore_mem>>
      %dma_start3A_7 = tpu.memref_slice %arg3[%mul3A_2] : memref<4096xi32, #tpu.memory_space<hbm>> -> memref<128xi32, #tpu.memory_space<hbm>>
      %dma_start3A_8 = tpu.memref_slice %arg3[%mul3A_2] : memref<4096xi32, #tpu.memory_space<hbm>> -> memref<128xi32, #tpu.memory_space<hbm>>
      tpu.enqueue_dma source(%dma_start3A_8 : memref<128xi32, #tpu.memory_space<hbm>>) target(%arg5 : memref<128xi32, #tpu.memory_space<vmem>>) target_semaphore(%run_scoped3A : memref<!tpu.dma_semaphore, #tpu.memory_space<semaphore_mem>>)
      %dma_wait3A_9 = tpu.memref_slice %arg3[%mul3A_2] : memref<4096xi32, #tpu.memory_space<hbm>> -> memref<128xi32, #tpu.memory_space<hbm>>
      %dma_wait3A_10 = tpu.memref_slice %arg3[%mul3A_2] : memref<4096xi32, #tpu.memory_space<hbm>> -> memref<128xi32, #tpu.memory_space<hbm>>
      tpu.wait_dma2 semaphore(%run_scoped3A : memref<!tpu.dma_semaphore, #tpu.memory_space<semaphore_mem>>) src(%dma_wait3A_10 : memref<128xi32, #tpu.memory_space<hbm>>) dst(%arg5 : memref<128xi32, #tpu.memory_space<vmem>>)
      tpu.yield
    }) : () -> ()
    %dma_start3A = arith.constant 0 : i32
    %dma_start3A_3 = arith.constant 0 : i32
    %dma_start3A_4 = tpu.memref_slice %arg2[%dma_start3A, %dma_start3A_3] : memref<87040x256xf32, #tpu.memory_space<hbm>> -> memref<87040x256xf32, #tpu.memory_space<hbm>>
    tpu.enqueue_indirect_dma source(%dma_start3A_4 : memref<87040x256xf32, #tpu.memory_space<hbm>>) target(%arg6 : memref<128x256xf32, #tpu.memory_space<vmem>>) offsets(%arg5 : memref<128xi32, #tpu.memory_space<vmem>>) semaphore(%arg7 : memref<!tpu.dma_semaphore, #tpu.memory_space<semaphore_mem>>)
    %dma_wait3A = arith.constant 0 : i32
    %dma_wait3A_5 = arith.constant 0 : i32
    %dma_wait3A_6 = tpu.memref_slice %arg2[%dma_wait3A, %dma_wait3A_5] : memref<87040x256xf32, #tpu.memory_space<hbm>> -> memref<87040x256xf32, #tpu.memory_space<hbm>>
    tpu.wait_indirect_dma semaphore(%arg7 : memref<!tpu.dma_semaphore, #tpu.memory_space<semaphore_mem>>) src(%dma_wait3A_6 : memref<87040x256xf32, #tpu.memory_space<hbm>>) dst(%arg6 : memref<128x256xf32, #tpu.memory_space<vmem>>)
    "tpu.region"() ({
      %run_scoped3A = tpu.sem_alloc : memref<!tpu.dma_semaphore, #tpu.memory_space<semaphore_mem>>
      %dma_start3A_7 = arith.constant 0 : i32
      %dma_start3A_8 = tpu.memref_slice %arg4[%mul3A_2, %dma_start3A_7] : memref<4096x256xf32, #tpu.memory_space<hbm>> -> memref<128x256xf32, #tpu.memory_space<hbm>>
      %dma_start3A_9 = arith.constant 0 : i32
      %dma_start3A_10 = tpu.memref_slice %arg4[%mul3A_2, %dma_start3A_9] : memref<4096x256xf32, #tpu.memory_space<hbm>> -> memref<128x256xf32, #tpu.memory_space<hbm>>
      tpu.enqueue_dma source(%arg6 : memref<128x256xf32, #tpu.memory_space<vmem>>) target(%dma_start3A_10 : memref<128x256xf32, #tpu.memory_space<hbm>>) target_semaphore(%run_scoped3A : memref<!tpu.dma_semaphore, #tpu.memory_space<semaphore_mem>>)
      %dma_wait3A_11 = arith.constant 0 : i32
      %dma_wait3A_12 = tpu.memref_slice %arg4[%mul3A_2, %dma_wait3A_11] : memref<4096x256xf32, #tpu.memory_space<hbm>> -> memref<128x256xf32, #tpu.memory_space<hbm>>
      %dma_wait3A_13 = arith.constant 0 : i32
      %dma_wait3A_14 = tpu.memref_slice %arg4[%mul3A_2, %dma_wait3A_13] : memref<4096x256xf32, #tpu.memory_space<hbm>> -> memref<128x256xf32, #tpu.memory_space<hbm>>
      tpu.wait_dma2 semaphore(%run_scoped3A : memref<!tpu.dma_semaphore, #tpu.memory_space<semaphore_mem>>) src(%arg6 : memref<128x256xf32, #tpu.memory_space<vmem>>) dst(%dma_wait3A_14 : memref<128x256xf32, #tpu.memory_space<hbm>>)
      tpu.yield
    }) : () -> ()
    return
  }
}

#map = affine_map<(d0, d1) -> (0, 0)>
module attributes {stable_mosaic.version = 14 : i64} {
  func.func @_compact_body(%arg0: i32, %arg1: i32, %arg2: memref<4x21760xf32, #tpu.memory_space<hbm>>, %arg3: memref<4x21760xf32, #tpu.memory_space<hbm>>, %arg4: memref<4x21760xf32, #tpu.memory_space<hbm>>, %arg5: memref<4x21760xf32, #tpu.memory_space<hbm>>, %arg6: memref<4x1024xf32, #tpu.memory_space<hbm>>, %arg7: memref<4x1024xf32, #tpu.memory_space<hbm>>, %arg8: memref<4x1024xf32, #tpu.memory_space<hbm>>, %arg9: memref<4x1024xf32, #tpu.memory_space<hbm>>, %arg10: memref<21760xf32, #tpu.memory_space<vmem>>, %arg11: memref<21760xf32, #tpu.memory_space<vmem>>, %arg12: memref<21760xf32, #tpu.memory_space<vmem>>, %arg13: memref<21760xf32, #tpu.memory_space<vmem>>, %arg14: memref<1024xf32, #tpu.memory_space<vmem>>, %arg15: memref<1024xf32, #tpu.memory_space<vmem>>, %arg16: memref<1024xf32, #tpu.memory_space<vmem>>, %arg17: memref<1024xf32, #tpu.memory_space<vmem>>) attributes {dimension_semantics = [#tpu.dimension_semantics<core_parallel>, #tpu.dimension_semantics<subcore_parallel>], iteration_bounds = array<i64: 2, 16>, scalar_prefetch = 0 : i64, scratch_operands = 8 : i64, tpu.core_type = #tpu.core_type<sc_vector_subcore>, window_params = [{transform_indices = #map}, {transform_indices = #map}, {transform_indices = #map}, {transform_indices = #map}, {transform_indices = #map}, {transform_indices = #map}, {transform_indices = #map}, {transform_indices = #map}]} {
    %mul3A = arith.constant 2 : i32
    %mul3A_0 = arith.muli %arg1, %mul3A : i32
    %add3A = arith.addi %mul3A_0, %arg0 : i32
    %lt3A = arith.constant 4 : i32
    %lt3A_1 = arith.cmpi slt, %add3A, %lt3A : i32
    %convert_element_type3A = arith.extui %lt3A_1 : i1 to i32
    %cond3A = arith.constant 0 : i32
    %cond3A_2 = arith.cmpi ne, %convert_element_type3A, %cond3A : i32
    scf.if %cond3A_2 {
      "tpu.region"() ({
        %run_scoped3A = tpu.sem_alloc : memref<!tpu.dma_semaphore, #tpu.memory_space<semaphore_mem>>
        %dma_start3A = arith.constant 0 : i32
        %dma_start3A_14 = tpu.memref_slice %arg2[%add3A, %dma_start3A] : memref<4x21760xf32, #tpu.memory_space<hbm>> -> memref<1x21760xf32, #tpu.memory_space<hbm>>
        %dma_start3A_15 = tpu.memref_squeeze %dma_start3A_14 : memref<1x21760xf32, #tpu.memory_space<hbm>> -> memref<21760xf32, #tpu.memory_space<hbm>>
        %dma_start3A_16 = arith.constant 0 : i32
        %dma_start3A_17 = tpu.memref_slice %arg2[%add3A, %dma_start3A_16] : memref<4x21760xf32, #tpu.memory_space<hbm>> -> memref<1x21760xf32, #tpu.memory_space<hbm>>
        %dma_start3A_18 = tpu.memref_squeeze %dma_start3A_17 : memref<1x21760xf32, #tpu.memory_space<hbm>> -> memref<21760xf32, #tpu.memory_space<hbm>>
        tpu.enqueue_dma source(%dma_start3A_18 : memref<21760xf32, #tpu.memory_space<hbm>>) target(%arg10 : memref<21760xf32, #tpu.memory_space<vmem>>) target_semaphore(%run_scoped3A : memref<!tpu.dma_semaphore, #tpu.memory_space<semaphore_mem>>)
        %dma_wait3A = arith.constant 0 : i32
        %dma_wait3A_19 = tpu.memref_slice %arg2[%add3A, %dma_wait3A] : memref<4x21760xf32, #tpu.memory_space<hbm>> -> memref<1x21760xf32, #tpu.memory_space<hbm>>
        %dma_wait3A_20 = tpu.memref_squeeze %dma_wait3A_19 : memref<1x21760xf32, #tpu.memory_space<hbm>> -> memref<21760xf32, #tpu.memory_space<hbm>>
        %dma_wait3A_21 = arith.constant 0 : i32
        %dma_wait3A_22 = tpu.memref_slice %arg2[%add3A, %dma_wait3A_21] : memref<4x21760xf32, #tpu.memory_space<hbm>> -> memref<1x21760xf32, #tpu.memory_space<hbm>>
        %dma_wait3A_23 = tpu.memref_squeeze %dma_wait3A_22 : memref<1x21760xf32, #tpu.memory_space<hbm>> -> memref<21760xf32, #tpu.memory_space<hbm>>
        tpu.wait_dma2 semaphore(%run_scoped3A : memref<!tpu.dma_semaphore, #tpu.memory_space<semaphore_mem>>) src(%dma_wait3A_23 : memref<21760xf32, #tpu.memory_space<hbm>>) dst(%arg10 : memref<21760xf32, #tpu.memory_space<vmem>>)
        tpu.yield
      }) : () -> ()
      "tpu.region"() ({
        %run_scoped3A = tpu.sem_alloc : memref<!tpu.dma_semaphore, #tpu.memory_space<semaphore_mem>>
        %dma_start3A = arith.constant 0 : i32
        %dma_start3A_14 = tpu.memref_slice %arg3[%add3A, %dma_start3A] : memref<4x21760xf32, #tpu.memory_space<hbm>> -> memref<1x21760xf32, #tpu.memory_space<hbm>>
        %dma_start3A_15 = tpu.memref_squeeze %dma_start3A_14 : memref<1x21760xf32, #tpu.memory_space<hbm>> -> memref<21760xf32, #tpu.memory_space<hbm>>
        %dma_start3A_16 = arith.constant 0 : i32
        %dma_start3A_17 = tpu.memref_slice %arg3[%add3A, %dma_start3A_16] : memref<4x21760xf32, #tpu.memory_space<hbm>> -> memref<1x21760xf32, #tpu.memory_space<hbm>>
        %dma_start3A_18 = tpu.memref_squeeze %dma_start3A_17 : memref<1x21760xf32, #tpu.memory_space<hbm>> -> memref<21760xf32, #tpu.memory_space<hbm>>
        tpu.enqueue_dma source(%dma_start3A_18 : memref<21760xf32, #tpu.memory_space<hbm>>) target(%arg11 : memref<21760xf32, #tpu.memory_space<vmem>>) target_semaphore(%run_scoped3A : memref<!tpu.dma_semaphore, #tpu.memory_space<semaphore_mem>>)
        %dma_wait3A = arith.constant 0 : i32
        %dma_wait3A_19 = tpu.memref_slice %arg3[%add3A, %dma_wait3A] : memref<4x21760xf32, #tpu.memory_space<hbm>> -> memref<1x21760xf32, #tpu.memory_space<hbm>>
        %dma_wait3A_20 = tpu.memref_squeeze %dma_wait3A_19 : memref<1x21760xf32, #tpu.memory_space<hbm>> -> memref<21760xf32, #tpu.memory_space<hbm>>
        %dma_wait3A_21 = arith.constant 0 : i32
        %dma_wait3A_22 = tpu.memref_slice %arg3[%add3A, %dma_wait3A_21] : memref<4x21760xf32, #tpu.memory_space<hbm>> -> memref<1x21760xf32, #tpu.memory_space<hbm>>
        %dma_wait3A_23 = tpu.memref_squeeze %dma_wait3A_22 : memref<1x21760xf32, #tpu.memory_space<hbm>> -> memref<21760xf32, #tpu.memory_space<hbm>>
        tpu.wait_dma2 semaphore(%run_scoped3A : memref<!tpu.dma_semaphore, #tpu.memory_space<semaphore_mem>>) src(%dma_wait3A_23 : memref<21760xf32, #tpu.memory_space<hbm>>) dst(%arg11 : memref<21760xf32, #tpu.memory_space<vmem>>)
        tpu.yield
      }) : () -> ()
      "tpu.region"() ({
        %run_scoped3A = tpu.sem_alloc : memref<!tpu.dma_semaphore, #tpu.memory_space<semaphore_mem>>
        %dma_start3A = arith.constant 0 : i32
        %dma_start3A_14 = tpu.memref_slice %arg4[%add3A, %dma_start3A] : memref<4x21760xf32, #tpu.memory_space<hbm>> -> memref<1x21760xf32, #tpu.memory_space<hbm>>
        %dma_start3A_15 = tpu.memref_squeeze %dma_start3A_14 : memref<1x21760xf32, #tpu.memory_space<hbm>> -> memref<21760xf32, #tpu.memory_space<hbm>>
        %dma_start3A_16 = arith.constant 0 : i32
        %dma_start3A_17 = tpu.memref_slice %arg4[%add3A, %dma_start3A_16] : memref<4x21760xf32, #tpu.memory_space<hbm>> -> memref<1x21760xf32, #tpu.memory_space<hbm>>
        %dma_start3A_18 = tpu.memref_squeeze %dma_start3A_17 : memref<1x21760xf32, #tpu.memory_space<hbm>> -> memref<21760xf32, #tpu.memory_space<hbm>>
        tpu.enqueue_dma source(%dma_start3A_18 : memref<21760xf32, #tpu.memory_space<hbm>>) target(%arg12 : memref<21760xf32, #tpu.memory_space<vmem>>) target_semaphore(%run_scoped3A : memref<!tpu.dma_semaphore, #tpu.memory_space<semaphore_mem>>)
        %dma_wait3A = arith.constant 0 : i32
        %dma_wait3A_19 = tpu.memref_slice %arg4[%add3A, %dma_wait3A] : memref<4x21760xf32, #tpu.memory_space<hbm>> -> memref<1x21760xf32, #tpu.memory_space<hbm>>
        %dma_wait3A_20 = tpu.memref_squeeze %dma_wait3A_19 : memref<1x21760xf32, #tpu.memory_space<hbm>> -> memref<21760xf32, #tpu.memory_space<hbm>>
        %dma_wait3A_21 = arith.constant 0 : i32
        %dma_wait3A_22 = tpu.memref_slice %arg4[%add3A, %dma_wait3A_21] : memref<4x21760xf32, #tpu.memory_space<hbm>> -> memref<1x21760xf32, #tpu.memory_space<hbm>>
        %dma_wait3A_23 = tpu.memref_squeeze %dma_wait3A_22 : memref<1x21760xf32, #tpu.memory_space<hbm>> -> memref<21760xf32, #tpu.memory_space<hbm>>
        tpu.wait_dma2 semaphore(%run_scoped3A : memref<!tpu.dma_semaphore, #tpu.memory_space<semaphore_mem>>) src(%dma_wait3A_23 : memref<21760xf32, #tpu.memory_space<hbm>>) dst(%arg12 : memref<21760xf32, #tpu.memory_space<vmem>>)
        tpu.yield
      }) : () -> ()
      "tpu.region"() ({
        %run_scoped3A = tpu.sem_alloc : memref<!tpu.dma_semaphore, #tpu.memory_space<semaphore_mem>>
        %dma_start3A = arith.constant 0 : i32
        %dma_start3A_14 = tpu.memref_slice %arg5[%add3A, %dma_start3A] : memref<4x21760xf32, #tpu.memory_space<hbm>> -> memref<1x21760xf32, #tpu.memory_space<hbm>>
        %dma_start3A_15 = tpu.memref_squeeze %dma_start3A_14 : memref<1x21760xf32, #tpu.memory_space<hbm>> -> memref<21760xf32, #tpu.memory_space<hbm>>
        %dma_start3A_16 = arith.constant 0 : i32
        %dma_start3A_17 = tpu.memref_slice %arg5[%add3A, %dma_start3A_16] : memref<4x21760xf32, #tpu.memory_space<hbm>> -> memref<1x21760xf32, #tpu.memory_space<hbm>>
        %dma_start3A_18 = tpu.memref_squeeze %dma_start3A_17 : memref<1x21760xf32, #tpu.memory_space<hbm>> -> memref<21760xf32, #tpu.memory_space<hbm>>
        tpu.enqueue_dma source(%dma_start3A_18 : memref<21760xf32, #tpu.memory_space<hbm>>) target(%arg13 : memref<21760xf32, #tpu.memory_space<vmem>>) target_semaphore(%run_scoped3A : memref<!tpu.dma_semaphore, #tpu.memory_space<semaphore_mem>>)
        %dma_wait3A = arith.constant 0 : i32
        %dma_wait3A_19 = tpu.memref_slice %arg5[%add3A, %dma_wait3A] : memref<4x21760xf32, #tpu.memory_space<hbm>> -> memref<1x21760xf32, #tpu.memory_space<hbm>>
        %dma_wait3A_20 = tpu.memref_squeeze %dma_wait3A_19 : memref<1x21760xf32, #tpu.memory_space<hbm>> -> memref<21760xf32, #tpu.memory_space<hbm>>
        %dma_wait3A_21 = arith.constant 0 : i32
        %dma_wait3A_22 = tpu.memref_slice %arg5[%add3A, %dma_wait3A_21] : memref<4x21760xf32, #tpu.memory_space<hbm>> -> memref<1x21760xf32, #tpu.memory_space<hbm>>
        %dma_wait3A_23 = tpu.memref_squeeze %dma_wait3A_22 : memref<1x21760xf32, #tpu.memory_space<hbm>> -> memref<21760xf32, #tpu.memory_space<hbm>>
        tpu.wait_dma2 semaphore(%run_scoped3A : memref<!tpu.dma_semaphore, #tpu.memory_space<semaphore_mem>>) src(%dma_wait3A_23 : memref<21760xf32, #tpu.memory_space<hbm>>) dst(%arg13 : memref<21760xf32, #tpu.memory_space<vmem>>)
        tpu.yield
      }) : () -> ()
      %scan3A = arith.constant 0 : i32
      %scan3A_3 = arith.constant 0 : i32
      %scan3A_4 = arith.constant 64 : i32
      %scan3A_5 = arith.addi %scan3A_3, %scan3A_4 : i32
      %scan3A_6 = arith.constant 1 : i32
      scf.for %scan3A_14 = %scan3A_3 to %scan3A_5 step %scan3A_6  : i32 {
        %broadcast_in_dim3A = arith.constant 0.000000e+00 : f32
        %broadcast_in_dim3A_15 = vector.broadcast %broadcast_in_dim3A : f32 to vector<16xf32>
        %mul3A_16 = arith.constant 16 : i32
        %mul3A_17 = arith.muli %scan3A_14, %mul3A_16 : i32
        %swap3A = arith.index_cast %mul3A_17 : i32 to index
        %swap3A_18 = tpu.vector_load %arg14[%swap3A] {strides = array<i32>} : memref<1024xf32, #tpu.memory_space<vmem>>, vector<16xf32>,
        tpu.vector_store %arg14[%swap3A], %broadcast_in_dim3A_15 {strides = array<i32>} : memref<1024xf32, #tpu.memory_space<vmem>>, vector<16xf32>,
        %broadcast_in_dim3A_19 = arith.constant -3.000000e+38 : f32
        %broadcast_in_dim3A_20 = vector.broadcast %broadcast_in_dim3A_19 : f32 to vector<16xf32>
        %mul3A_21 = arith.constant 16 : i32
        %mul3A_22 = arith.muli %scan3A_14, %mul3A_21 : i32
        %swap3A_23 = arith.index_cast %mul3A_22 : i32 to index
        %swap3A_24 = tpu.vector_load %arg15[%swap3A_23] {strides = array<i32>} : memref<1024xf32, #tpu.memory_space<vmem>>, vector<16xf32>,
        tpu.vector_store %arg15[%swap3A_23], %broadcast_in_dim3A_20 {strides = array<i32>} : memref<1024xf32, #tpu.memory_space<vmem>>, vector<16xf32>,
        %mul3A_25 = arith.constant 16 : i32
        %mul3A_26 = arith.muli %scan3A_14, %mul3A_25 : i32
        %swap3A_27 = arith.index_cast %mul3A_26 : i32 to index
        %swap3A_28 = tpu.vector_load %arg16[%swap3A_27] {strides = array<i32>} : memref<1024xf32, #tpu.memory_space<vmem>>, vector<16xf32>,
        tpu.vector_store %arg16[%swap3A_27], %broadcast_in_dim3A_15 {strides = array<i32>} : memref<1024xf32, #tpu.memory_space<vmem>>, vector<16xf32>,
        %mul3A_29 = arith.constant 16 : i32
        %mul3A_30 = arith.muli %scan3A_14, %mul3A_29 : i32
        %swap3A_31 = arith.index_cast %mul3A_30 : i32 to index
        %swap3A_32 = tpu.vector_load %arg17[%swap3A_31] {strides = array<i32>} : memref<1024xf32, #tpu.memory_space<vmem>>, vector<16xf32>,
        tpu.vector_store %arg17[%swap3A_31], %broadcast_in_dim3A_15 {strides = array<i32>} : memref<1024xf32, #tpu.memory_space<vmem>>, vector<16xf32>,
      }
      %scan3A_7 = arith.constant 64 : i32
      %scan3A_8 = arith.constant 0 : i32
      %scan3A_9 = arith.constant 0 : i32
      %scan3A_10 = arith.constant 1360 : i32
      %scan3A_11 = arith.addi %scan3A_9, %scan3A_10 : i32
      %scan3A_12 = arith.constant 1 : i32
      scf.for %scan3A_14 = %scan3A_9 to %scan3A_11 step %scan3A_12  : i32 {
        %mul3A_15 = arith.constant 16 : i32
        %mul3A_16 = arith.muli %scan3A_14, %mul3A_15 : i32
        %get3A = arith.index_cast %mul3A_16 : i32 to index
        %get3A_17 = tpu.vector_load %arg10[%get3A] {strides = array<i32>} : memref<21760xf32, #tpu.memory_space<vmem>>, vector<16xf32>,
        %ge3A = arith.constant 0.000000e+00 : f32
        %ge3A_18 = vector.broadcast %ge3A : f32 to vector<16xf32>
        %ge3A_19 = arith.cmpf oge, %get3A_17, %ge3A_18 : vector<16xf32>
        %convert_element_type3A_20 = arith.fptosi %get3A_17 : vector<16xf32> to vector<16xi32>
        %iota3A = tpu.iota {dimensions = array<i32: 0>} : vector<16xi32>
        %mul3A_21 = arith.constant 16 : i32
        %mul3A_22 = arith.muli %scan3A_14, %mul3A_21 : i32
        %add3A_23 = vector.broadcast %mul3A_22 : i32 to vector<16xi32>
        %add3A_24 = arith.addi %iota3A, %add3A_23 : vector<16xi32>
        %convert_element_type3A_25 = arith.sitofp %add3A_24 : vector<16xi32> to vector<16xf32>
        tpu.vector_store_idx %arg14[%convert_element_type3A_20], %convert_element_type3A_25 masked %ge3A_19 : memref<1024xf32, #tpu.memory_space<vmem>>[vector<16xi32>], vector<16xf32>, vector<16xi1>
        %get3A_26 = arith.index_cast %mul3A_16 : i32 to index
        %get3A_27 = tpu.vector_load %arg11[%get3A_26] {strides = array<i32>} : memref<21760xf32, #tpu.memory_space<vmem>>, vector<16xf32>,
        tpu.vector_store_idx %arg15[%convert_element_type3A_20], %get3A_27 masked %ge3A_19 : memref<1024xf32, #tpu.memory_space<vmem>>[vector<16xi32>], vector<16xf32>, vector<16xi1>
        %get3A_28 = arith.index_cast %mul3A_16 : i32 to index
        %get3A_29 = tpu.vector_load %arg12[%get3A_28] {strides = array<i32>} : memref<21760xf32, #tpu.memory_space<vmem>>, vector<16xf32>,
        tpu.vector_store_idx %arg16[%convert_element_type3A_20], %get3A_29 masked %ge3A_19 : memref<1024xf32, #tpu.memory_space<vmem>>[vector<16xi32>], vector<16xf32>, vector<16xi1>
        %get3A_30 = arith.index_cast %mul3A_16 : i32 to index
        %get3A_31 = tpu.vector_load %arg13[%get3A_30] {strides = array<i32>} : memref<21760xf32, #tpu.memory_space<vmem>>, vector<16xf32>,
        tpu.vector_store_idx %arg17[%convert_element_type3A_20], %get3A_31 masked %ge3A_19 : memref<1024xf32, #tpu.memory_space<vmem>>[vector<16xi32>], vector<16xf32>, vector<16xi1>
      }
      %scan3A_13 = arith.constant 1360 : i32
      "tpu.region"() ({
        %run_scoped3A = tpu.sem_alloc : memref<!tpu.dma_semaphore, #tpu.memory_space<semaphore_mem>>
        %dma_start3A = arith.constant 0 : i32
        %dma_start3A_14 = tpu.memref_slice %arg6[%add3A, %dma_start3A] : memref<4x1024xf32, #tpu.memory_space<hbm>> -> memref<1x1024xf32, #tpu.memory_space<hbm>>
        %dma_start3A_15 = tpu.memref_squeeze %dma_start3A_14 : memref<1x1024xf32, #tpu.memory_space<hbm>> -> memref<1024xf32, #tpu.memory_space<hbm>>
        %dma_start3A_16 = arith.constant 0 : i32
        %dma_start3A_17 = tpu.memref_slice %arg6[%add3A, %dma_start3A_16] : memref<4x1024xf32, #tpu.memory_space<hbm>> -> memref<1x1024xf32, #tpu.memory_space<hbm>>
        %dma_start3A_18 = tpu.memref_squeeze %dma_start3A_17 : memref<1x1024xf32, #tpu.memory_space<hbm>> -> memref<1024xf32, #tpu.memory_space<hbm>>
        tpu.enqueue_dma source(%arg14 : memref<1024xf32, #tpu.memory_space<vmem>>) target(%dma_start3A_18 : memref<1024xf32, #tpu.memory_space<hbm>>) target_semaphore(%run_scoped3A : memref<!tpu.dma_semaphore, #tpu.memory_space<semaphore_mem>>)
        %dma_wait3A = arith.constant 0 : i32
        %dma_wait3A_19 = tpu.memref_slice %arg6[%add3A, %dma_wait3A] : memref<4x1024xf32, #tpu.memory_space<hbm>> -> memref<1x1024xf32, #tpu.memory_space<hbm>>
        %dma_wait3A_20 = tpu.memref_squeeze %dma_wait3A_19 : memref<1x1024xf32, #tpu.memory_space<hbm>> -> memref<1024xf32, #tpu.memory_space<hbm>>
        %dma_wait3A_21 = arith.constant 0 : i32
        %dma_wait3A_22 = tpu.memref_slice %arg6[%add3A, %dma_wait3A_21] : memref<4x1024xf32, #tpu.memory_space<hbm>> -> memref<1x1024xf32, #tpu.memory_space<hbm>>
        %dma_wait3A_23 = tpu.memref_squeeze %dma_wait3A_22 : memref<1x1024xf32, #tpu.memory_space<hbm>> -> memref<1024xf32, #tpu.memory_space<hbm>>
        tpu.wait_dma2 semaphore(%run_scoped3A : memref<!tpu.dma_semaphore, #tpu.memory_space<semaphore_mem>>) src(%arg14 : memref<1024xf32, #tpu.memory_space<vmem>>) dst(%dma_wait3A_23 : memref<1024xf32, #tpu.memory_space<hbm>>)
        tpu.yield
      }) : () -> ()
      "tpu.region"() ({
        %run_scoped3A = tpu.sem_alloc : memref<!tpu.dma_semaphore, #tpu.memory_space<semaphore_mem>>
        %dma_start3A = arith.constant 0 : i32
        %dma_start3A_14 = tpu.memref_slice %arg7[%add3A, %dma_start3A] : memref<4x1024xf32, #tpu.memory_space<hbm>> -> memref<1x1024xf32, #tpu.memory_space<hbm>>
        %dma_start3A_15 = tpu.memref_squeeze %dma_start3A_14 : memref<1x1024xf32, #tpu.memory_space<hbm>> -> memref<1024xf32, #tpu.memory_space<hbm>>
        %dma_start3A_16 = arith.constant 0 : i32
        %dma_start3A_17 = tpu.memref_slice %arg7[%add3A, %dma_start3A_16] : memref<4x1024xf32, #tpu.memory_space<hbm>> -> memref<1x1024xf32, #tpu.memory_space<hbm>>
        %dma_start3A_18 = tpu.memref_squeeze %dma_start3A_17 : memref<1x1024xf32, #tpu.memory_space<hbm>> -> memref<1024xf32, #tpu.memory_space<hbm>>
        tpu.enqueue_dma source(%arg15 : memref<1024xf32, #tpu.memory_space<vmem>>) target(%dma_start3A_18 : memref<1024xf32, #tpu.memory_space<hbm>>) target_semaphore(%run_scoped3A : memref<!tpu.dma_semaphore, #tpu.memory_space<semaphore_mem>>)
        %dma_wait3A = arith.constant 0 : i32
        %dma_wait3A_19 = tpu.memref_slice %arg7[%add3A, %dma_wait3A] : memref<4x1024xf32, #tpu.memory_space<hbm>> -> memref<1x1024xf32, #tpu.memory_space<hbm>>
        %dma_wait3A_20 = tpu.memref_squeeze %dma_wait3A_19 : memref<1x1024xf32, #tpu.memory_space<hbm>> -> memref<1024xf32, #tpu.memory_space<hbm>>
        %dma_wait3A_21 = arith.constant 0 : i32
        %dma_wait3A_22 = tpu.memref_slice %arg7[%add3A, %dma_wait3A_21] : memref<4x1024xf32, #tpu.memory_space<hbm>> -> memref<1x1024xf32, #tpu.memory_space<hbm>>
        %dma_wait3A_23 = tpu.memref_squeeze %dma_wait3A_22 : memref<1x1024xf32, #tpu.memory_space<hbm>> -> memref<1024xf32, #tpu.memory_space<hbm>>
        tpu.wait_dma2 semaphore(%run_scoped3A : memref<!tpu.dma_semaphore, #tpu.memory_space<semaphore_mem>>) src(%arg15 : memref<1024xf32, #tpu.memory_space<vmem>>) dst(%dma_wait3A_23 : memref<1024xf32, #tpu.memory_space<hbm>>)
        tpu.yield
      }) : () -> ()
      "tpu.region"() ({
        %run_scoped3A = tpu.sem_alloc : memref<!tpu.dma_semaphore, #tpu.memory_space<semaphore_mem>>
        %dma_start3A = arith.constant 0 : i32
        %dma_start3A_14 = tpu.memref_slice %arg8[%add3A, %dma_start3A] : memref<4x1024xf32, #tpu.memory_space<hbm>> -> memref<1x1024xf32, #tpu.memory_space<hbm>>
        %dma_start3A_15 = tpu.memref_squeeze %dma_start3A_14 : memref<1x1024xf32, #tpu.memory_space<hbm>> -> memref<1024xf32, #tpu.memory_space<hbm>>
        %dma_start3A_16 = arith.constant 0 : i32
        %dma_start3A_17 = tpu.memref_slice %arg8[%add3A, %dma_start3A_16] : memref<4x1024xf32, #tpu.memory_space<hbm>> -> memref<1x1024xf32, #tpu.memory_space<hbm>>
        %dma_start3A_18 = tpu.memref_squeeze %dma_start3A_17 : memref<1x1024xf32, #tpu.memory_space<hbm>> -> memref<1024xf32, #tpu.memory_space<hbm>>
        tpu.enqueue_dma source(%arg16 : memref<1024xf32, #tpu.memory_space<vmem>>) target(%dma_start3A_18 : memref<1024xf32, #tpu.memory_space<hbm>>) target_semaphore(%run_scoped3A : memref<!tpu.dma_semaphore, #tpu.memory_space<semaphore_mem>>)
        %dma_wait3A = arith.constant 0 : i32
        %dma_wait3A_19 = tpu.memref_slice %arg8[%add3A, %dma_wait3A] : memref<4x1024xf32, #tpu.memory_space<hbm>> -> memref<1x1024xf32, #tpu.memory_space<hbm>>
        %dma_wait3A_20 = tpu.memref_squeeze %dma_wait3A_19 : memref<1x1024xf32, #tpu.memory_space<hbm>> -> memref<1024xf32, #tpu.memory_space<hbm>>
        %dma_wait3A_21 = arith.constant 0 : i32
        %dma_wait3A_22 = tpu.memref_slice %arg8[%add3A, %dma_wait3A_21] : memref<4x1024xf32, #tpu.memory_space<hbm>> -> memref<1x1024xf32, #tpu.memory_space<hbm>>
        %dma_wait3A_23 = tpu.memref_squeeze %dma_wait3A_22 : memref<1x1024xf32, #tpu.memory_space<hbm>> -> memref<1024xf32, #tpu.memory_space<hbm>>
        tpu.wait_dma2 semaphore(%run_scoped3A : memref<!tpu.dma_semaphore, #tpu.memory_space<semaphore_mem>>) src(%arg16 : memref<1024xf32, #tpu.memory_space<vmem>>) dst(%dma_wait3A_23 : memref<1024xf32, #tpu.memory_space<hbm>>)
        tpu.yield
      }) : () -> ()
      "tpu.region"() ({
        %run_scoped3A = tpu.sem_alloc : memref<!tpu.dma_semaphore, #tpu.memory_space<semaphore_mem>>
        %dma_start3A = arith.constant 0 : i32
        %dma_start3A_14 = tpu.memref_slice %arg9[%add3A, %dma_start3A] : memref<4x1024xf32, #tpu.memory_space<hbm>> -> memref<1x1024xf32, #tpu.memory_space<hbm>>
        %dma_start3A_15 = tpu.memref_squeeze %dma_start3A_14 : memref<1x1024xf32, #tpu.memory_space<hbm>> -> memref<1024xf32, #tpu.memory_space<hbm>>
        %dma_start3A_16 = arith.constant 0 : i32
        %dma_start3A_17 = tpu.memref_slice %arg9[%add3A, %dma_start3A_16] : memref<4x1024xf32, #tpu.memory_space<hbm>> -> memref<1x1024xf32, #tpu.memory_space<hbm>>
        %dma_start3A_18 = tpu.memref_squeeze %dma_start3A_17 : memref<1x1024xf32, #tpu.memory_space<hbm>> -> memref<1024xf32, #tpu.memory_space<hbm>>
        tpu.enqueue_dma source(%arg17 : memref<1024xf32, #tpu.memory_space<vmem>>) target(%dma_start3A_18 : memref<1024xf32, #tpu.memory_space<hbm>>) target_semaphore(%run_scoped3A : memref<!tpu.dma_semaphore, #tpu.memory_space<semaphore_mem>>)
        %dma_wait3A = arith.constant 0 : i32
        %dma_wait3A_19 = tpu.memref_slice %arg9[%add3A, %dma_wait3A] : memref<4x1024xf32, #tpu.memory_space<hbm>> -> memref<1x1024xf32, #tpu.memory_space<hbm>>
        %dma_wait3A_20 = tpu.memref_squeeze %dma_wait3A_19 : memref<1x1024xf32, #tpu.memory_space<hbm>> -> memref<1024xf32, #tpu.memory_space<hbm>>
        %dma_wait3A_21 = arith.constant 0 : i32
        %dma_wait3A_22 = tpu.memref_slice %arg9[%add3A, %dma_wait3A_21] : memref<4x1024xf32, #tpu.memory_space<hbm>> -> memref<1x1024xf32, #tpu.memory_space<hbm>>
        %dma_wait3A_23 = tpu.memref_squeeze %dma_wait3A_22 : memref<1x1024xf32, #tpu.memory_space<hbm>> -> memref<1024xf32, #tpu.memory_space<hbm>>
        tpu.wait_dma2 semaphore(%run_scoped3A : memref<!tpu.dma_semaphore, #tpu.memory_space<semaphore_mem>>) src(%arg17 : memref<1024xf32, #tpu.memory_space<vmem>>) dst(%dma_wait3A_23 : memref<1024xf32, #tpu.memory_space<hbm>>)
        tpu.yield
      }) : () -> ()
    } else {
    }
    return
  }
}

module attributes {stable_mosaic.version = 14 : i64} {
  func.func @_proj_body(%arg0: i32, %arg1: i32, %arg2: memref<1x1280x256xf32, #tpu.memory_space<vmem>>, %arg3: memref<256x256xf32, #tpu.memory_space<vmem>>, %arg4: memref<8x256xf32, #tpu.memory_space<vmem>>, %arg5: memref<1x1280x256xf32, #tpu.memory_space<vmem>>) attributes {dimension_semantics = [#tpu.dimension_semantics<arbitrary>, #tpu.dimension_semantics<arbitrary>], iteration_bounds = array<i64: 4, 17>, scalar_prefetch = 0 : i64, scratch_operands = 0 : i64, tpu.core_type = #tpu.core_type<tc>, window_params = [{transform_indices = @transform_0, window_bounds = array<i64: 1, 1280, 256>}, {pipeline_mode = #tpu.pipeline_mode<synchronous>, transform_indices = @transform_1, window_bounds = array<i64: 256, 256>}, {pipeline_mode = #tpu.pipeline_mode<synchronous>, transform_indices = @transform_2, window_bounds = array<i64: 8, 256>}, {transform_indices = @transform_3, window_bounds = array<i64: 1, 1280, 256>}]} {
    %get3A = arith.constant 0 : index
    %get3A_0 = arith.constant 0 : index
    %get3A_1 = arith.constant 0 : index
    %get3A_2 = vector.load %arg2[%get3A, %get3A_0, %get3A_1] : memref<1x1280x256xf32, #tpu.memory_space<vmem>>, vector<1x1280x256xf32>
    %get3A_3 = vector.shape_cast %get3A_2 : vector<1x1280x256xf32> to vector<1280x256xf32>
    %get3A_4 = arith.constant 0 : index
    %get3A_5 = arith.constant 0 : index
    %get3A_6 = vector.load %arg3[%get3A_4, %get3A_5] : memref<256x256xf32, #tpu.memory_space<vmem>>, vector<256x256xf32>
    %dot_general3A = arith.constant dense<0.000000e+00> : vector<1280x256xf32>
    %dot_general3A_7 = tpu.matmul %get3A_3, %get3A_6, %dot_general3A {dimension_numbers = #tpu.dot_dimension_numbers<[1], [0], [0], [1], [0, 0, 1, 1], [], []>, transpose_lhs_hint = false} : vector<1280x256xf32>, vector<256x256xf32>, vector<1280x256xf32> -> vector<1280x256xf32>
    %get3A_8 = arith.constant 0 : index
    %get3A_9 = arith.constant 0 : index
    %get3A_10 = vector.load %arg4[%get3A_8, %get3A_9] : memref<8x256xf32, #tpu.memory_space<vmem>>, vector<1x256xf32>
    %add3A = vector.broadcast %get3A_10 : vector<1x256xf32> to vector<1280x256xf32>
    %add3A_11 = arith.addf %dot_general3A_7, %add3A : vector<1280x256xf32>
    %swap3A = arith.constant 0 : index
    %swap3A_12 = arith.constant 0 : index
    %swap3A_13 = arith.constant 0 : index
    %swap3A_14 = vector.load %arg5[%swap3A, %swap3A_12, %swap3A_13] : memref<1x1280x256xf32, #tpu.memory_space<vmem>>, vector<1x1280x256xf32>
    %swap3A_15 = vector.shape_cast %swap3A_14 : vector<1x1280x256xf32> to vector<1280x256xf32>
    %swap3A_16 = vector.shape_cast %add3A_11 : vector<1280x256xf32> to vector<1x1280x256xf32>
    tpu.vector_store %arg5[%swap3A, %swap3A_12, %swap3A_13], %swap3A_16 {strides = array<i32>} : memref<1x1280x256xf32, #tpu.memory_space<vmem>>, vector<1x1280x256xf32>,
    return
  }
  func.func @transform_0(%arg0: i32, %arg1: i32) -> (i32, i32, i32) {
    %c0_i32 = arith.constant 0 : i32
    %c0_i32_0 = arith.constant 0 : i32
    return %arg0, %arg1, %c0_i32 : i32, i32, i32
  }
  func.func @transform_1(%arg0: i32, %arg1: i32) -> (i32, i32) {
    %c0_i32 = arith.constant 0 : i32
    %c0_i32_0 = arith.constant 0 : i32
    %c0_i32_1 = arith.constant 0 : i32
    return %c0_i32, %c0_i32_0 : i32, i32
  }
  func.func @transform_2(%arg0: i32, %arg1: i32) -> (i32, i32) {
    %c0_i32 = arith.constant 0 : i32
    %c0_i32_0 = arith.constant 0 : i32
    %c0_i32_1 = arith.constant 0 : i32
    return %c0_i32, %c0_i32_0 : i32, i32
  }
  func.func @transform_3(%arg0: i32, %arg1: i32) -> (i32, i32, i32) {
    %mul3A = arith.constant 17 : i32
    %mul3A_0 = arith.muli %arg0, %mul3A : i32
    %add3A = arith.addi %mul3A_0, %arg1 : i32
    %c0_i32 = arith.constant 0 : i32
    %c0_i32_1 = arith.constant 0 : i32
    %c0_i32_2 = arith.constant 0 : i32
    return %add3A, %c0_i32, %c0_i32_1 : i32, i32, i32
  }
}

module attributes {stable_mosaic.version = 14 : i64} {
  func.func @_sim_body(%arg0: i32, %arg1: i32, %arg2: memref<1x1280x256xf32, #tpu.memory_space<vmem>>, %arg3: memref<1x1x1280xf32, #tpu.memory_space<vmem>>, %arg4: memref<1x1x1280xf32, #tpu.memory_space<vmem>>, %arg5: memref<1x256x256xf32, #tpu.memory_space<vmem>>, %arg6: memref<8x256xf32, #tpu.memory_space<vmem>>, %arg7: memref<1x1x256xf32, #tpu.memory_space<vmem>>, %arg8: memref<1x1x1280xf32, #tpu.memory_space<vmem>>, %arg9: memref<1x1x1280xf32, #tpu.memory_space<vmem>>) attributes {dimension_semantics = [#tpu.dimension_semantics<arbitrary>, #tpu.dimension_semantics<arbitrary>], iteration_bounds = array<i64: 4, 17>, scalar_prefetch = 0 : i64, scratch_operands = 0 : i64, tpu.core_type = #tpu.core_type<tc>, window_params = [{transform_indices = @transform_0, window_bounds = array<i64: 1, 1280, 256>}, {transform_indices = @transform_1, window_bounds = array<i64: 1, 1, 1280>}, {transform_indices = @transform_2, window_bounds = array<i64: 1, 1, 1280>}, {transform_indices = @transform_3, window_bounds = array<i64: 1, 256, 256>}, {pipeline_mode = #tpu.pipeline_mode<synchronous>, transform_indices = @transform_4, window_bounds = array<i64: 8, 256>}, {transform_indices = @transform_5, window_bounds = array<i64: 1, 1, 256>}, {transform_indices = @transform_6, window_bounds = array<i64: 1, 1, 1280>}, {transform_indices = @transform_7, window_bounds = array<i64: 1, 1, 1280>}]} {
    %get3A = arith.constant 0 : index
    %get3A_0 = arith.constant 0 : index
    %get3A_1 = arith.constant 0 : index
    %get3A_2 = vector.load %arg2[%get3A, %get3A_0, %get3A_1] : memref<1x1280x256xf32, #tpu.memory_space<vmem>>, vector<1x1280x256xf32>
    %get3A_3 = vector.shape_cast %get3A_2 : vector<1x1280x256xf32> to vector<1280x256xf32>
    %get3A_4 = arith.constant 0 : index
    %get3A_5 = arith.constant 0 : index
    %get3A_6 = arith.constant 0 : index
    %get3A_7 = vector.load %arg3[%get3A_4, %get3A_5, %get3A_6] : memref<1x1x1280xf32, #tpu.memory_space<vmem>>, vector<1x1x1280xf32>
    %get3A_8 = vector.shape_cast %get3A_7 : vector<1x1x1280xf32> to vector<1280xf32>
    %broadcast_in_dim3A = vector.shape_cast %get3A_8 : vector<1280xf32> to vector<1280x1xf32>
    %get3A_9 = arith.constant 0 : index
    %get3A_10 = arith.constant 0 : index
    %get3A_11 = arith.constant 0 : index
    %get3A_12 = vector.load %arg4[%get3A_9, %get3A_10, %get3A_11] : memref<1x1x1280xf32, #tpu.memory_space<vmem>>, vector<1x1x1280xf32>
    %get3A_13 = vector.shape_cast %get3A_12 : vector<1x1x1280xf32> to vector<1280xf32>
    %broadcast_in_dim3A_14 = vector.shape_cast %get3A_13 : vector<1280xf32> to vector<1280x1xf32>
    %sub3A = vector.broadcast %broadcast_in_dim3A : vector<1280x1xf32> to vector<1280x256xf32>
    %sub3A_15 = arith.subf %get3A_3, %sub3A : vector<1280x256xf32>
    %add3A = arith.constant 9.99999974E-6 : f32
    %add3A_16 = vector.broadcast %add3A : f32 to vector<1280x1xf32>
    %add3A_17 = arith.addf %broadcast_in_dim3A_14, %add3A_16 : vector<1280x1xf32>
    %sqrt3A = math.sqrt %add3A_17 : vector<1280x1xf32>
    %div3A = vector.broadcast %sqrt3A : vector<1280x1xf32> to vector<1280x256xf32>
    %div3A_18 = arith.divf %sub3A_15, %div3A : vector<1280x256xf32>
    %get3A_19 = arith.constant 1 : index
    %get3A_20 = arith.constant 0 : index
    %get3A_21 = vector.load %arg6[%get3A_19, %get3A_20] : memref<8x256xf32, #tpu.memory_space<vmem>>, vector<1x256xf32>
    %mul3A = vector.broadcast %get3A_21 : vector<1x256xf32> to vector<1280x256xf32>
    %mul3A_22 = arith.mulf %div3A_18, %mul3A : vector<1280x256xf32>
    %get3A_23 = arith.constant 2 : index
    %get3A_24 = arith.constant 0 : index
    %get3A_25 = vector.load %arg6[%get3A_23, %get3A_24] : memref<8x256xf32, #tpu.memory_space<vmem>>, vector<1x256xf32>
    %add3A_26 = vector.broadcast %get3A_25 : vector<1x256xf32> to vector<1280x256xf32>
    %add3A_27 = arith.addf %mul3A_22, %add3A_26 : vector<1280x256xf32>
    %get3A_28 = arith.constant 0 : index
    %get3A_29 = arith.constant 0 : index
    %get3A_30 = arith.constant 0 : index
    %get3A_31 = vector.load %arg5[%get3A_28, %get3A_29, %get3A_30] : memref<1x256x256xf32, #tpu.memory_space<vmem>>, vector<1x256x256xf32>
    %get3A_32 = vector.shape_cast %get3A_31 : vector<1x256x256xf32> to vector<256x256xf32>
    %dot_general3A = arith.constant dense<0.000000e+00> : vector<1280x256xf32>
    %dot_general3A_33 = tpu.matmul %add3A_27, %get3A_32, %dot_general3A {dimension_numbers = #tpu.dot_dimension_numbers<[1], [1], [0], [0], [0, 0, 1, 0], [], []>, transpose_lhs_hint = false} : vector<1280x256xf32>, vector<256x256xf32>, vector<1280x256xf32> -> vector<1280x256xf32>
    %get3A_34 = arith.constant 0 : index
    %get3A_35 = arith.constant 0 : index
    %get3A_36 = arith.constant 0 : index
    %get3A_37 = vector.load %arg7[%get3A_34, %get3A_35, %get3A_36] : memref<1x1x256xf32, #tpu.memory_space<vmem>>, vector<1x1x256xf32>
    %get3A_38 = vector.shape_cast %get3A_37 : vector<1x1x256xf32> to vector<1x256xf32>
    %gt3A = arith.constant 0.000000e+00 : f32
    %gt3A_39 = vector.broadcast %gt3A : f32 to vector<1x256xf32>
    %gt3A_40 = arith.cmpf ogt, %get3A_38, %gt3A_39 : vector<1x256xf32>
    %jit3A = arith.constant -1.000000e+09 : f32
    %broadcast_in_dim3A_41 = vector.shape_cast %gt3A_40 : vector<1x256xi1> to vector<1x256xi1>
    %broadcast_in_dim3A_42 = vector.broadcast %broadcast_in_dim3A_41 : vector<1x256xi1> to vector<1280x256xi1>
    %broadcast_in_dim3A_43 = vector.broadcast %jit3A : f32 to vector<1280x256xf32>
    %select_n3A = arith.select %broadcast_in_dim3A_42, %dot_general3A_33, %broadcast_in_dim3A_43 : vector<1280x256xi1>, vector<1280x256xf32>
    %reduce_max3A = arith.constant dense<0xFF800000> : vector<1280xf32>
    %reduce_max3A_44 = vector.multi_reduction <maximumf>, %select_n3A, %reduce_max3A [1] : vector<1280x256xf32> to vector<1280xf32>
    %get3A_45 = arith.constant 0 : index
    %get3A_46 = arith.constant 0 : index
    %get3A_47 = arith.constant 0 : index
    %get3A_48 = vector.load %arg8[%get3A_45, %get3A_46, %get3A_47] : memref<1x1x1280xf32, #tpu.memory_space<vmem>>, vector<1x1x1280xf32>
    %get3A_49 = vector.shape_cast %get3A_48 : vector<1x1x1280xf32> to vector<1280xf32>
    %gt3A_50 = arith.constant 0.000000e+00 : f32
    %gt3A_51 = vector.broadcast %gt3A_50 : f32 to vector<1280xf32>
    %gt3A_52 = arith.cmpf ogt, %get3A_49, %gt3A_51 : vector<1280xf32>
    %jit3A_53 = arith.constant -1.000000e+09 : f32
    %broadcast_in_dim3A_54 = vector.broadcast %jit3A_53 : f32 to vector<1280xf32>
    %select_n3A_55 = arith.select %gt3A_52, %reduce_max3A_44, %broadcast_in_dim3A_54 : vector<1280xi1>, vector<1280xf32>
    %swap3A = arith.constant 0 : index
    %swap3A_56 = arith.constant 0 : index
    %swap3A_57 = arith.constant 0 : index
    %swap3A_58 = vector.load %arg9[%swap3A, %swap3A_56, %swap3A_57] : memref<1x1x1280xf32, #tpu.memory_space<vmem>>, vector<1x1x1280xf32>
    %swap3A_59 = vector.shape_cast %swap3A_58 : vector<1x1x1280xf32> to vector<1280xf32>
    %swap3A_60 = vector.shape_cast %select_n3A_55 : vector<1280xf32> to vector<1x1x1280xf32>
    tpu.vector_store %arg9[%swap3A, %swap3A_56, %swap3A_57], %swap3A_60 {strides = array<i32>} : memref<1x1x1280xf32, #tpu.memory_space<vmem>>, vector<1x1x1280xf32>,
    return
  }
  func.func @transform_0(%arg0: i32, %arg1: i32) -> (i32, i32, i32) {
    %mul3A = arith.constant 17 : i32
    %mul3A_0 = arith.muli %arg0, %mul3A : i32
    %add3A = arith.addi %mul3A_0, %arg1 : i32
    %c0_i32 = arith.constant 0 : i32
    %c0_i32_1 = arith.constant 0 : i32
    %c0_i32_2 = arith.constant 0 : i32
    return %add3A, %c0_i32, %c0_i32_1 : i32, i32, i32
  }
  func.func @transform_1(%arg0: i32, %arg1: i32) -> (i32, i32, i32) {
    %mul3A = arith.constant 17 : i32
    %mul3A_0 = arith.muli %arg0, %mul3A : i32
    %add3A = arith.addi %mul3A_0, %arg1 : i32
    %c0_i32 = arith.constant 0 : i32
    %c0_i32_1 = arith.constant 0 : i32
    %c0_i32_2 = arith.constant 0 : i32
    return %add3A, %c0_i32, %c0_i32_1 : i32, i32, i32
  }
  func.func @transform_2(%arg0: i32, %arg1: i32) -> (i32, i32, i32) {
    %mul3A = arith.constant 17 : i32
    %mul3A_0 = arith.muli %arg0, %mul3A : i32
    %add3A = arith.addi %mul3A_0, %arg1 : i32
    %c0_i32 = arith.constant 0 : i32
    %c0_i32_1 = arith.constant 0 : i32
    %c0_i32_2 = arith.constant 0 : i32
    return %add3A, %c0_i32, %c0_i32_1 : i32, i32, i32
  }
  func.func @transform_3(%arg0: i32, %arg1: i32) -> (i32, i32, i32) {
    %c0_i32 = arith.constant 0 : i32
    %c0_i32_0 = arith.constant 0 : i32
    %c0_i32_1 = arith.constant 0 : i32
    return %arg0, %c0_i32, %c0_i32_0 : i32, i32, i32
  }
  func.func @transform_4(%arg0: i32, %arg1: i32) -> (i32, i32) {
    %c0_i32 = arith.constant 0 : i32
    %c0_i32_0 = arith.constant 0 : i32
    %c0_i32_1 = arith.constant 0 : i32
    return %c0_i32, %c0_i32_0 : i32, i32
  }
  func.func @transform_5(%arg0: i32, %arg1: i32) -> (i32, i32, i32) {
    %c0_i32 = arith.constant 0 : i32
    %c0_i32_0 = arith.constant 0 : i32
    %c0_i32_1 = arith.constant 0 : i32
    return %arg0, %c0_i32, %c0_i32_0 : i32, i32, i32
  }
  func.func @transform_6(%arg0: i32, %arg1: i32) -> (i32, i32, i32) {
    %mul3A = arith.constant 17 : i32
    %mul3A_0 = arith.muli %arg0, %mul3A : i32
    %add3A = arith.addi %mul3A_0, %arg1 : i32
    %c0_i32 = arith.constant 0 : i32
    %c0_i32_1 = arith.constant 0 : i32
    %c0_i32_2 = arith.constant 0 : i32
    return %add3A, %c0_i32, %c0_i32_1 : i32, i32, i32
  }
  func.func @transform_7(%arg0: i32, %arg1: i32) -> (i32, i32, i32) {
    %mul3A = arith.constant 17 : i32
    %mul3A_0 = arith.muli %arg0, %mul3A : i32
    %add3A = arith.addi %mul3A_0, %arg1 : i32
    %c0_i32 = arith.constant 0 : i32
    %c0_i32_1 = arith.constant 0 : i32
    %c0_i32_2 = arith.constant 0 : i32
    return %add3A, %c0_i32, %c0_i32_1 : i32, i32, i32
  }
}

module attributes {stable_mosaic.version = 14 : i64} {
  func.func @_select_body(%arg0: i32, %arg1: memref<1x170x128xf32, #tpu.memory_space<vmem>>, %arg2: memref<1x170x128xf32, #tpu.memory_space<vmem>>) attributes {dimension_semantics = [#tpu.dimension_semantics<arbitrary>], iteration_bounds = array<i64: 4>, scalar_prefetch = 0 : i64, scratch_operands = 0 : i64, tpu.core_type = #tpu.core_type<tc>, window_params = [{transform_indices = @transform_0, window_bounds = array<i64: 1, 170, 128>}, {transform_indices = @transform_1, window_bounds = array<i64: 1, 170, 128>}]} {
    %get3A = arith.constant 0 : index
    %get3A_0 = arith.constant 0 : index
    %get3A_1 = arith.constant 0 : index
    %get3A_2 = vector.load %arg1[%get3A, %get3A_0, %get3A_1] : memref<1x170x128xf32, #tpu.memory_space<vmem>>, vector<1x170x128xf32>
    %get3A_3 = vector.shape_cast %get3A_2 : vector<1x170x128xf32> to vector<170x128xf32>
    %bitcast_convert_type3A = tpu.bitcast %get3A_3 : vector<170x128xf32> -> vector<170x128xi32>
    %ge3A = arith.constant 0 : i32
    %ge3A_4 = vector.broadcast %ge3A : i32 to vector<170x128xi32>
    %ge3A_5 = arith.cmpi sge, %bitcast_convert_type3A, %ge3A_4 : vector<170x128xi32>
    %xor3A = arith.constant 2147483647 : i32
    %xor3A_6 = vector.broadcast %xor3A : i32 to vector<170x128xi32>
    %xor3A_7 = arith.xori %bitcast_convert_type3A, %xor3A_6 : vector<170x128xi32>
    %select_n3A = arith.select %ge3A_5, %bitcast_convert_type3A, %xor3A_7 : vector<170x128xi1>, vector<170x128xi32>
    %ge3A_8 = arith.constant 0 : i32
    %ge3A_9 = vector.broadcast %ge3A_8 : i32 to vector<170x128xi32>
    %ge3A_10 = arith.cmpi sge, %select_n3A, %ge3A_9 : vector<170x128xi32>
    %convert_element_type3A = arith.extui %ge3A_10 : vector<170x128xi1> to vector<170x128xi32>
    %convert_element_type3A_11 = arith.sitofp %convert_element_type3A : vector<170x128xi32> to vector<170x128xf32>
    %reduce_sum3A = vector.shape_cast %convert_element_type3A_11 : vector<170x128xf32> to vector<1x170x128xf32>
    %reduce_sum3A_12 = arith.constant dense<0.000000e+00> : vector<1xf32>
    %reduce_sum3A_13 = vector.multi_reduction <add>, %reduce_sum3A, %reduce_sum3A_12 [1, 2] : vector<1x170x128xf32> to vector<1xf32>
    %reduce_sum3A_14 = vector.shape_cast %reduce_sum3A_13 : vector<1xf32> to vector<1x1x1xf32>
    %reduce_sum3A_15 = vector.extract %reduce_sum3A_14[0, 0, 0] : f32 from vector<1x1x1xf32>
    %ge3A_16 = arith.constant 9.000000e+02 : f32
    %ge3A_17 = arith.cmpf oge, %reduce_sum3A_15, %ge3A_16 : f32
    %jit3A = arith.constant 0 : i32
    %jit3A_18 = arith.constant -2147483648 : i32
    %select_n3A_19 = arith.select %ge3A_17, %jit3A, %jit3A_18 : i32
    %scan3A = arith.constant 0 : i32
    %scan3A_20 = arith.constant 31 : i32
    %scan3A_21 = arith.addi %scan3A, %scan3A_20 : i32
    %scan3A_22 = arith.constant 1 : i32
    %scan3A_23 = scf.for %scan3A_72 = %scan3A to %scan3A_21 step %scan3A_22 iter_args(%scan3A_73 = %select_n3A_19) -> (i32)  : i32 {
      %sub3A_74 = arith.constant 30 : i32
      %sub3A_75 = arith.subi %sub3A_74, %scan3A_72 : i32
      %shift_left3A = arith.constant 1 : i32
      %shift_left3A_76 = arith.shli %shift_left3A, %sub3A_75 : i32
      %or3A_77 = arith.ori %scan3A_73, %shift_left3A_76 : i32
      %ge3A_78 = vector.broadcast %or3A_77 : i32 to vector<170x128xi32>
      %ge3A_79 = arith.cmpi sge, %select_n3A, %ge3A_78 : vector<170x128xi32>
      %convert_element_type3A_80 = arith.extui %ge3A_79 : vector<170x128xi1> to vector<170x128xi32>
      %convert_element_type3A_81 = arith.sitofp %convert_element_type3A_80 : vector<170x128xi32> to vector<170x128xf32>
      %reduce_sum3A_82 = vector.shape_cast %convert_element_type3A_81 : vector<170x128xf32> to vector<1x170x128xf32>
      %reduce_sum3A_83 = arith.constant dense<0.000000e+00> : vector<1xf32>
      %reduce_sum3A_84 = vector.multi_reduction <add>, %reduce_sum3A_82, %reduce_sum3A_83 [1, 2] : vector<1x170x128xf32> to vector<1xf32>
      %reduce_sum3A_85 = vector.shape_cast %reduce_sum3A_84 : vector<1xf32> to vector<1x1x1xf32>
      %reduce_sum3A_86 = vector.extract %reduce_sum3A_85[0, 0, 0] : f32 from vector<1x1x1xf32>
      %ge3A_87 = arith.constant 9.000000e+02 : f32
      %ge3A_88 = arith.cmpf oge, %reduce_sum3A_86, %ge3A_87 : f32
      %select_n3A_89 = arith.select %ge3A_88, %or3A_77, %scan3A_73 : i32
      scf.yield %select_n3A_89 : i32
    }
    %scan3A_24 = arith.constant 31 : i32
    %iota3A = tpu.iota {dimensions = array<i32: 0>} : vector<128x128xi32>
    %iota3A_25 = tpu.iota {dimensions = array<i32: 1>} : vector<128x128xi32>
    %lt3A = arith.cmpi slt, %iota3A, %iota3A_25 : vector<128x128xi32>
    %convert_element_type3A_26 = arith.extui %lt3A : vector<128x128xi1> to vector<128x128xi32>
    %convert_element_type3A_27 = arith.sitofp %convert_element_type3A_26 : vector<128x128xi32> to vector<128x128xf32>
    %iota3A_28 = tpu.iota {dimensions = array<i32: 0>} : vector<170x170xi32>
    %iota3A_29 = tpu.iota {dimensions = array<i32: 1>} : vector<170x170xi32>
    %lt3A_30 = arith.cmpi slt, %iota3A_29, %iota3A_28 : vector<170x170xi32>
    %convert_element_type3A_31 = arith.extui %lt3A_30 : vector<170x170xi1> to vector<170x170xi32>
    %convert_element_type3A_32 = arith.sitofp %convert_element_type3A_31 : vector<170x170xi32> to vector<170x170xf32>
    %broadcast_in_dim3A = arith.constant 1.000000e+00 : f32
    %broadcast_in_dim3A_33 = vector.broadcast %broadcast_in_dim3A : f32 to vector<128x1xf32>
    %gt3A = vector.broadcast %scan3A_23 : i32 to vector<170x128xi32>
    %gt3A_34 = arith.cmpi sgt, %select_n3A, %gt3A : vector<170x128xi32>
    %eq3A = vector.broadcast %scan3A_23 : i32 to vector<170x128xi32>
    %eq3A_35 = arith.cmpi eq, %select_n3A, %eq3A : vector<170x128xi32>
    %convert_element_type3A_36 = arith.extui %gt3A_34 : vector<170x128xi1> to vector<170x128xi32>
    %convert_element_type3A_37 = arith.sitofp %convert_element_type3A_36 : vector<170x128xi32> to vector<170x128xf32>
    %reduce_sum3A_38 = vector.shape_cast %convert_element_type3A_37 : vector<170x128xf32> to vector<1x170x128xf32>
    %reduce_sum3A_39 = arith.constant dense<0.000000e+00> : vector<1xf32>
    %reduce_sum3A_40 = vector.multi_reduction <add>, %reduce_sum3A_38, %reduce_sum3A_39 [1, 2] : vector<1x170x128xf32> to vector<1xf32>
    %reduce_sum3A_41 = vector.shape_cast %reduce_sum3A_40 : vector<1xf32> to vector<1x1x1xf32>
    %reduce_sum3A_42 = vector.extract %reduce_sum3A_41[0, 0, 0] : f32 from vector<1x1x1xf32>
    %sub3A = arith.constant 9.000000e+02 : f32
    %sub3A_43 = arith.subf %sub3A, %reduce_sum3A_42 : f32
    %convert_element_type3A_44 = arith.extui %eq3A_35 : vector<170x128xi1> to vector<170x128xi32>
    %convert_element_type3A_45 = arith.sitofp %convert_element_type3A_44 : vector<170x128xi32> to vector<170x128xf32>
    %dot_general3A = arith.constant dense<0.000000e+00> : vector<170x128xf32>
    %dot_general3A_46 = tpu.matmul %convert_element_type3A_45, %convert_element_type3A_27, %dot_general3A {dimension_numbers = #tpu.dot_dimension_numbers<[1], [0], [0], [1], [0, 0, 1, 1], [], []>, precision = #tpu.contract_precision<fp32>, transpose_lhs_hint = false} : vector<170x128xf32>, vector<128x128xf32>, vector<170x128xf32> -> vector<170x128xf32>
    %dot_general3A_47 = arith.constant dense<0.000000e+00> : vector<170x1xf32>
    %dot_general3A_48 = tpu.matmul %convert_element_type3A_45, %broadcast_in_dim3A_33, %dot_general3A_47 {dimension_numbers = #tpu.dot_dimension_numbers<[1], [0], [0], [1], [0, 0, 1, 1], [], []>, precision = #tpu.contract_precision<fp32>, transpose_lhs_hint = false} : vector<170x128xf32>, vector<128x1xf32>, vector<170x1xf32> -> vector<170x1xf32>
    %dot_general3A_49 = arith.constant dense<0.000000e+00> : vector<170x1xf32>
    %dot_general3A_50 = tpu.matmul %convert_element_type3A_32, %dot_general3A_48, %dot_general3A_49 {dimension_numbers = #tpu.dot_dimension_numbers<[1], [0], [0], [1], [0, 0, 1, 1], [], []>, precision = #tpu.contract_precision<fp32>, transpose_lhs_hint = false} : vector<170x170xf32>, vector<170x1xf32>, vector<170x1xf32> -> vector<170x1xf32>
    %add3A = vector.broadcast %dot_general3A_50 : vector<170x1xf32> to vector<170x128xf32>
    %add3A_51 = arith.addf %add3A, %dot_general3A_46 : vector<170x128xf32>
    %lt3A_52 = vector.broadcast %sub3A_43 : f32 to vector<170x128xf32>
    %lt3A_53 = arith.cmpf olt, %add3A_51, %lt3A_52 : vector<170x128xf32>
    %and3A = arith.andi %eq3A_35, %lt3A_53 : vector<170x128xi1>
    %or3A = arith.ori %gt3A_34, %and3A : vector<170x128xi1>
    %convert_element_type3A_54 = arith.extui %or3A : vector<170x128xi1> to vector<170x128xi32>
    %convert_element_type3A_55 = arith.sitofp %convert_element_type3A_54 : vector<170x128xi32> to vector<170x128xf32>
    %dot_general3A_56 = arith.constant dense<0.000000e+00> : vector<170x128xf32>
    %dot_general3A_57 = tpu.matmul %convert_element_type3A_55, %convert_element_type3A_27, %dot_general3A_56 {dimension_numbers = #tpu.dot_dimension_numbers<[1], [0], [0], [1], [0, 0, 1, 1], [], []>, precision = #tpu.contract_precision<fp32>, transpose_lhs_hint = false} : vector<170x128xf32>, vector<128x128xf32>, vector<170x128xf32> -> vector<170x128xf32>
    %dot_general3A_58 = arith.constant dense<0.000000e+00> : vector<170x1xf32>
    %dot_general3A_59 = tpu.matmul %convert_element_type3A_55, %broadcast_in_dim3A_33, %dot_general3A_58 {dimension_numbers = #tpu.dot_dimension_numbers<[1], [0], [0], [1], [0, 0, 1, 1], [], []>, precision = #tpu.contract_precision<fp32>, transpose_lhs_hint = false} : vector<170x128xf32>, vector<128x1xf32>, vector<170x1xf32> -> vector<170x1xf32>
    %dot_general3A_60 = arith.constant dense<0.000000e+00> : vector<170x1xf32>
    %dot_general3A_61 = tpu.matmul %convert_element_type3A_32, %dot_general3A_59, %dot_general3A_60 {dimension_numbers = #tpu.dot_dimension_numbers<[1], [0], [0], [1], [0, 0, 1, 1], [], []>, precision = #tpu.contract_precision<fp32>, transpose_lhs_hint = false} : vector<170x170xf32>, vector<170x1xf32>, vector<170x1xf32> -> vector<170x1xf32>
    %add3A_62 = vector.broadcast %dot_general3A_61 : vector<170x1xf32> to vector<170x128xf32>
    %add3A_63 = arith.addf %add3A_62, %dot_general3A_57 : vector<170x128xf32>
    %jit3A_64 = arith.constant -1.000000e+00 : f32
    %broadcast_in_dim3A_65 = vector.broadcast %jit3A_64 : f32 to vector<170x128xf32>
    %select_n3A_66 = arith.select %or3A, %add3A_63, %broadcast_in_dim3A_65 : vector<170x128xi1>, vector<170x128xf32>
    %swap3A = arith.constant 0 : index
    %swap3A_67 = arith.constant 0 : index
    %swap3A_68 = arith.constant 0 : index
    %swap3A_69 = vector.load %arg2[%swap3A, %swap3A_67, %swap3A_68] : memref<1x170x128xf32, #tpu.memory_space<vmem>>, vector<1x170x128xf32>
    %swap3A_70 = vector.shape_cast %swap3A_69 : vector<1x170x128xf32> to vector<170x128xf32>
    %swap3A_71 = vector.shape_cast %select_n3A_66 : vector<170x128xf32> to vector<1x170x128xf32>
    tpu.vector_store %arg2[%swap3A, %swap3A_67, %swap3A_68], %swap3A_71 {strides = array<i32>} : memref<1x170x128xf32, #tpu.memory_space<vmem>>, vector<1x170x128xf32>,
    return
  }
  func.func @transform_0(%arg0: i32) -> (i32, i32, i32) {
    %c0_i32 = arith.constant 0 : i32
    %c0_i32_0 = arith.constant 0 : i32
    %c0_i32_1 = arith.constant 0 : i32
    return %arg0, %c0_i32, %c0_i32_0 : i32, i32, i32
  }
  func.func @transform_1(%arg0: i32) -> (i32, i32, i32) {
    %c0_i32 = arith.constant 0 : i32
    %c0_i32_0 = arith.constant 0 : i32
    %c0_i32_1 = arith.constant 0 : i32
    return %arg0, %c0_i32, %c0_i32_0 : i32, i32, i32
  }
}

module attributes {stable_mosaic.version = 14 : i64} {
  func.func @_rank_body(%arg0: i32, %arg1: memref<1x1x1024xf32, #tpu.memory_space<vmem>>, %arg2: memref<1x1x1024xf32, #tpu.memory_space<vmem>>, %arg3: memref<1x1x1024xf32, #tpu.memory_space<vmem>>, %arg4: memref<1x1x1024xf32, #tpu.memory_space<vmem>>, %arg5: memref<1x1x1024xi32, #tpu.memory_space<vmem>>, %arg6: memref<1x1024x1xi32, #tpu.memory_space<vmem>>, %arg7: memref<1x1024x1xf32, #tpu.memory_space<vmem>>, %arg8: memref<1x1024x1xf32, #tpu.memory_space<vmem>>, %arg9: memref<1x1024x1xf32, #tpu.memory_space<vmem>>) attributes {dimension_semantics = [#tpu.dimension_semantics<arbitrary>], iteration_bounds = array<i64: 4>, scalar_prefetch = 0 : i64, scratch_operands = 0 : i64, tpu.core_type = #tpu.core_type<tc>, window_params = [{transform_indices = @transform_0, window_bounds = array<i64: 1, 1, 1024>}, {transform_indices = @transform_1, window_bounds = array<i64: 1, 1, 1024>}, {transform_indices = @transform_2, window_bounds = array<i64: 1, 1, 1024>}, {transform_indices = @transform_3, window_bounds = array<i64: 1, 1, 1024>}, {transform_indices = @transform_4, window_bounds = array<i64: 1, 1, 1024>}, {transform_indices = @transform_5, window_bounds = array<i64: 1, 1024, 1>}, {transform_indices = @transform_6, window_bounds = array<i64: 1, 1024, 1>}, {transform_indices = @transform_7, window_bounds = array<i64: 1, 1024, 1>}, {transform_indices = @transform_8, window_bounds = array<i64: 1, 1024, 1>}]} {
    %get3A = arith.constant 0 : index
    %get3A_0 = arith.constant 0 : index
    %get3A_1 = arith.constant 0 : index
    %get3A_2 = vector.load %arg2[%get3A, %get3A_0, %get3A_1] : memref<1x1x1024xf32, #tpu.memory_space<vmem>>, vector<1x1x1024xf32>
    %get3A_3 = vector.shape_cast %get3A_2 : vector<1x1x1024xf32> to vector<1x1024xf32>
    %get3A_4 = arith.constant 0 : index
    %get3A_5 = arith.constant 0 : index
    %get3A_6 = arith.constant 0 : index
    %get3A_7 = vector.load %arg1[%get3A_4, %get3A_5, %get3A_6] : memref<1x1x1024xf32, #tpu.memory_space<vmem>>, vector<1x1x1024xf32>
    %get3A_8 = vector.shape_cast %get3A_7 : vector<1x1x1024xf32> to vector<1x1024xf32>
    %iota3A = tpu.iota {dimensions = array<i32: 0>} : vector<1024x1024xi32>
    %iota3A_9 = tpu.iota {dimensions = array<i32: 1>} : vector<1024x1024xi32>
    %eq3A = arith.cmpi eq, %iota3A, %iota3A_9 : vector<1024x1024xi32>
    %convert_element_type3A = arith.extui %eq3A : vector<1024x1024xi1> to vector<1024x1024xi32>
    %convert_element_type3A_10 = arith.sitofp %convert_element_type3A : vector<1024x1024xi32> to vector<1024x1024xf32>
    %dot_general3A = arith.constant dense<0.000000e+00> : vector<1024x1xf32>
    %dot_general3A_11 = tpu.matmul %convert_element_type3A_10, %get3A_3, %dot_general3A {dimension_numbers = #tpu.dot_dimension_numbers<[1], [1], [0], [0], [0, 0, 1, 0], [], []>, precision = #tpu.contract_precision<fp32>, transpose_lhs_hint = false} : vector<1024x1024xf32>, vector<1x1024xf32>, vector<1024x1xf32> -> vector<1024x1xf32>
    %dot_general3A_12 = arith.constant dense<0.000000e+00> : vector<1024x1xf32>
    %dot_general3A_13 = tpu.matmul %convert_element_type3A_10, %get3A_8, %dot_general3A_12 {dimension_numbers = #tpu.dot_dimension_numbers<[1], [1], [0], [0], [0, 0, 1, 0], [], []>, precision = #tpu.contract_precision<fp32>, transpose_lhs_hint = false} : vector<1024x1024xf32>, vector<1x1024xf32>, vector<1024x1xf32> -> vector<1024x1xf32>
    %gt3A = vector.broadcast %dot_general3A_11 : vector<1024x1xf32> to vector<1024x1024xf32>
    %gt3A_14 = vector.broadcast %get3A_3 : vector<1x1024xf32> to vector<1024x1024xf32>
    %gt3A_15 = arith.cmpf ogt, %gt3A, %gt3A_14 : vector<1024x1024xf32>
    %eq3A_16 = vector.broadcast %dot_general3A_11 : vector<1024x1xf32> to vector<1024x1024xf32>
    %eq3A_17 = vector.broadcast %get3A_3 : vector<1x1024xf32> to vector<1024x1024xf32>
    %eq3A_18 = arith.cmpf oeq, %eq3A_16, %eq3A_17 : vector<1024x1024xf32>
    %lt3A = vector.broadcast %dot_general3A_13 : vector<1024x1xf32> to vector<1024x1024xf32>
    %lt3A_19 = vector.broadcast %get3A_8 : vector<1x1024xf32> to vector<1024x1024xf32>
    %lt3A_20 = arith.cmpf olt, %lt3A, %lt3A_19 : vector<1024x1024xf32>
    %and3A = arith.andi %eq3A_18, %lt3A_20 : vector<1024x1024xi1>
    %or3A = arith.ori %gt3A_15, %and3A : vector<1024x1024xi1>
    %convert_element_type3A_21 = arith.extui %or3A : vector<1024x1024xi1> to vector<1024x1024xi32>
    %convert_element_type3A_22 = arith.sitofp %convert_element_type3A_21 : vector<1024x1024xi32> to vector<1024x1024xf32>
    %broadcast_in_dim3A = arith.constant 1.000000e+00 : f32
    %broadcast_in_dim3A_23 = vector.broadcast %broadcast_in_dim3A : f32 to vector<1x1024xf32>
    %dot_general3A_24 = arith.constant dense<0.000000e+00> : vector<1x1024xf32>
    %dot_general3A_25 = tpu.matmul %broadcast_in_dim3A_23, %convert_element_type3A_22, %dot_general3A_24 {dimension_numbers = #tpu.dot_dimension_numbers<[1], [0], [0], [1], [0, 0, 1, 1], [], []>, precision = #tpu.contract_precision<fp32>, transpose_lhs_hint = false} : vector<1x1024xf32>, vector<1024x1024xf32>, vector<1x1024xf32> -> vector<1x1024xf32>
    %iota3A_26 = tpu.iota {dimensions = array<i32: 0>} : vector<1024x1xi32>
    %convert_element_type3A_27 = arith.sitofp %iota3A_26 : vector<1024x1xi32> to vector<1024x1xf32>
    %eq3A_28 = vector.broadcast %dot_general3A_25 : vector<1x1024xf32> to vector<1024x1024xf32>
    %eq3A_29 = vector.broadcast %convert_element_type3A_27 : vector<1024x1xf32> to vector<1024x1024xf32>
    %eq3A_30 = arith.cmpf oeq, %eq3A_28, %eq3A_29 : vector<1024x1024xf32>
    %convert_element_type3A_31 = arith.extui %eq3A_30 : vector<1024x1024xi1> to vector<1024x1024xi32>
    %convert_element_type3A_32 = arith.sitofp %convert_element_type3A_31 : vector<1024x1024xi32> to vector<1024x1024xf32>
    %dot_general3A_33 = arith.constant dense<0.000000e+00> : vector<1024x1xf32>
    %dot_general3A_34 = tpu.matmul %convert_element_type3A_32, %dot_general3A_13, %dot_general3A_33 {dimension_numbers = #tpu.dot_dimension_numbers<[1], [0], [0], [1], [0, 0, 1, 1], [], []>, precision = #tpu.contract_precision<fp32>, transpose_lhs_hint = false} : vector<1024x1024xf32>, vector<1024x1xf32>, vector<1024x1xf32> -> vector<1024x1xf32>
    %dot_general3A_35 = arith.constant dense<0.000000e+00> : vector<1024x1xf32>
    %dot_general3A_36 = tpu.matmul %convert_element_type3A_32, %dot_general3A_11, %dot_general3A_35 {dimension_numbers = #tpu.dot_dimension_numbers<[1], [0], [0], [1], [0, 0, 1, 1], [], []>, precision = #tpu.contract_precision<fp32>, transpose_lhs_hint = false} : vector<1024x1024xf32>, vector<1024x1xf32>, vector<1024x1xf32> -> vector<1024x1xf32>
    %get3A_37 = arith.constant 0 : index
    %get3A_38 = arith.constant 0 : index
    %get3A_39 = arith.constant 0 : index
    %get3A_40 = vector.load %arg3[%get3A_37, %get3A_38, %get3A_39] : memref<1x1x1024xf32, #tpu.memory_space<vmem>>, vector<1x1x1024xf32>
    %get3A_41 = vector.shape_cast %get3A_40 : vector<1x1x1024xf32> to vector<1x1024xf32>
    %dot_general3A_42 = arith.constant dense<0.000000e+00> : vector<1024x1xf32>
    %dot_general3A_43 = tpu.matmul %convert_element_type3A_10, %get3A_41, %dot_general3A_42 {dimension_numbers = #tpu.dot_dimension_numbers<[1], [1], [0], [0], [0, 0, 1, 0], [], []>, precision = #tpu.contract_precision<fp32>, transpose_lhs_hint = false} : vector<1024x1024xf32>, vector<1x1024xf32>, vector<1024x1xf32> -> vector<1024x1xf32>
    %get3A_44 = arith.constant 0 : index
    %get3A_45 = arith.constant 0 : index
    %get3A_46 = arith.constant 0 : index
    %get3A_47 = vector.load %arg4[%get3A_44, %get3A_45, %get3A_46] : memref<1x1x1024xf32, #tpu.memory_space<vmem>>, vector<1x1x1024xf32>
    %get3A_48 = vector.shape_cast %get3A_47 : vector<1x1x1024xf32> to vector<1x1024xf32>
    %dot_general3A_49 = arith.constant dense<0.000000e+00> : vector<1024x1xf32>
    %dot_general3A_50 = tpu.matmul %convert_element_type3A_10, %get3A_48, %dot_general3A_49 {dimension_numbers = #tpu.dot_dimension_numbers<[1], [1], [0], [0], [0, 0, 1, 0], [], []>, precision = #tpu.contract_precision<fp32>, transpose_lhs_hint = false} : vector<1024x1024xf32>, vector<1x1024xf32>, vector<1024x1xf32> -> vector<1024x1xf32>
    %dot_general3A_51 = arith.constant dense<0.000000e+00> : vector<1024x1xf32>
    %dot_general3A_52 = tpu.matmul %convert_element_type3A_32, %dot_general3A_43, %dot_general3A_51 {dimension_numbers = #tpu.dot_dimension_numbers<[1], [0], [0], [1], [0, 0, 1, 1], [], []>, precision = #tpu.contract_precision<fp32>, transpose_lhs_hint = false} : vector<1024x1024xf32>, vector<1024x1xf32>, vector<1024x1xf32> -> vector<1024x1xf32>
    %swap3A = arith.constant 0 : index
    %swap3A_53 = arith.constant 0 : index
    %swap3A_54 = arith.constant 0 : index
    %swap3A_55 = vector.load %arg8[%swap3A, %swap3A_53, %swap3A_54] : memref<1x1024x1xf32, #tpu.memory_space<vmem>>, vector<1x1024x1xf32>
    %swap3A_56 = vector.shape_cast %swap3A_55 : vector<1x1024x1xf32> to vector<1024x1xf32>
    %swap3A_57 = vector.shape_cast %dot_general3A_52 : vector<1024x1xf32> to vector<1x1024x1xf32>
    tpu.vector_store %arg8[%swap3A, %swap3A_53, %swap3A_54], %swap3A_57 {strides = array<i32>} : memref<1x1024x1xf32, #tpu.memory_space<vmem>>, vector<1x1024x1xf32>,
    %dot_general3A_58 = arith.constant dense<0.000000e+00> : vector<1024x1xf32>
    %dot_general3A_59 = tpu.matmul %convert_element_type3A_32, %dot_general3A_50, %dot_general3A_58 {dimension_numbers = #tpu.dot_dimension_numbers<[1], [0], [0], [1], [0, 0, 1, 1], [], []>, precision = #tpu.contract_precision<fp32>, transpose_lhs_hint = false} : vector<1024x1024xf32>, vector<1024x1xf32>, vector<1024x1xf32> -> vector<1024x1xf32>
    %swap3A_60 = arith.constant 0 : index
    %swap3A_61 = arith.constant 0 : index
    %swap3A_62 = arith.constant 0 : index
    %swap3A_63 = vector.load %arg9[%swap3A_60, %swap3A_61, %swap3A_62] : memref<1x1024x1xf32, #tpu.memory_space<vmem>>, vector<1x1024x1xf32>
    %swap3A_64 = vector.shape_cast %swap3A_63 : vector<1x1024x1xf32> to vector<1024x1xf32>
    %swap3A_65 = vector.shape_cast %dot_general3A_59 : vector<1024x1xf32> to vector<1x1024x1xf32>
    tpu.vector_store %arg9[%swap3A_60, %swap3A_61, %swap3A_62], %swap3A_65 {strides = array<i32>} : memref<1x1024x1xf32, #tpu.memory_space<vmem>>, vector<1x1024x1xf32>,
    %jit3A = arith.constant 0.000000e+00 : f32
    %jit3A_66 = arith.constant 2.175900e+04 : f32
    %max3A = vector.broadcast %jit3A : f32 to vector<1024x1xf32>
    %max3A_67 = arith.maximumf %max3A, %dot_general3A_34 : vector<1024x1xf32>
    %min3A = vector.broadcast %jit3A_66 : f32 to vector<1024x1xf32>
    %min3A_68 = arith.minimumf %min3A, %max3A_67 : vector<1024x1xf32>
    %dot_general3A_69 = arith.constant dense<0.000000e+00> : vector<1x1024xf32>
    %dot_general3A_70 = tpu.matmul %min3A_68, %convert_element_type3A_10, %dot_general3A_69 {dimension_numbers = #tpu.dot_dimension_numbers<[0], [0], [1], [1], [0, 1, 1, 1], [], []>, precision = #tpu.contract_precision<fp32>, transpose_lhs_hint = false} : vector<1024x1xf32>, vector<1024x1024xf32>, vector<1x1024xf32> -> vector<1x1024xf32>
    %squeeze3A = vector.shape_cast %dot_general3A_70 : vector<1x1024xf32> to vector<1024xf32>
    %convert_element_type3A_71 = arith.fptosi %squeeze3A : vector<1024xf32> to vector<1024xi32>
    %mul3A = arith.constant 21760 : i32
    %mul3A_72 = arith.muli %arg0, %mul3A : i32
    %add3A = vector.broadcast %mul3A_72 : i32 to vector<1024xi32>
    %add3A_73 = arith.addi %convert_element_type3A_71, %add3A : vector<1024xi32>
    %swap3A_74 = arith.constant 0 : index
    %swap3A_75 = arith.constant 0 : index
    %swap3A_76 = arith.constant 0 : index
    %swap3A_77 = vector.load %arg5[%swap3A_74, %swap3A_75, %swap3A_76] : memref<1x1x1024xi32, #tpu.memory_space<vmem>>, vector<1x1x1024xi32>
    %swap3A_78 = vector.shape_cast %swap3A_77 : vector<1x1x1024xi32> to vector<1024xi32>
    %swap3A_79 = vector.shape_cast %add3A_73 : vector<1024xi32> to vector<1x1x1024xi32>
    tpu.vector_store %arg5[%swap3A_74, %swap3A_75, %swap3A_76], %swap3A_79 {strides = array<i32>} : memref<1x1x1024xi32, #tpu.memory_space<vmem>>, vector<1x1x1024xi32>,
    %convert_element_type3A_80 = arith.fptosi %min3A_68 : vector<1024x1xf32> to vector<1024x1xi32>
    %swap3A_81 = arith.constant 0 : index
    %swap3A_82 = arith.constant 0 : index
    %swap3A_83 = arith.constant 0 : index
    %swap3A_84 = vector.load %arg6[%swap3A_81, %swap3A_82, %swap3A_83] : memref<1x1024x1xi32, #tpu.memory_space<vmem>>, vector<1x1024x1xi32>
    %swap3A_85 = vector.shape_cast %swap3A_84 : vector<1x1024x1xi32> to vector<1024x1xi32>
    %swap3A_86 = vector.shape_cast %convert_element_type3A_80 : vector<1024x1xi32> to vector<1x1024x1xi32>
    tpu.vector_store %arg6[%swap3A_81, %swap3A_82, %swap3A_83], %swap3A_86 {strides = array<i32>} : memref<1x1024x1xi32, #tpu.memory_space<vmem>>, vector<1x1024x1xi32>,
    %swap3A_87 = arith.constant 0 : index
    %swap3A_88 = arith.constant 0 : index
    %swap3A_89 = arith.constant 0 : index
    %swap3A_90 = vector.load %arg7[%swap3A_87, %swap3A_88, %swap3A_89] : memref<1x1024x1xf32, #tpu.memory_space<vmem>>, vector<1x1024x1xf32>
    %swap3A_91 = vector.shape_cast %swap3A_90 : vector<1x1024x1xf32> to vector<1024x1xf32>
    %swap3A_92 = vector.shape_cast %dot_general3A_36 : vector<1024x1xf32> to vector<1x1024x1xf32>
    tpu.vector_store %arg7[%swap3A_87, %swap3A_88, %swap3A_89], %swap3A_92 {strides = array<i32>} : memref<1x1024x1xf32, #tpu.memory_space<vmem>>, vector<1x1024x1xf32>,
    return
  }
  func.func @transform_0(%arg0: i32) -> (i32, i32, i32) {
    %c0_i32 = arith.constant 0 : i32
    %c0_i32_0 = arith.constant 0 : i32
    %c0_i32_1 = arith.constant 0 : i32
    return %arg0, %c0_i32, %c0_i32_0 : i32, i32, i32
  }
  func.func @transform_1(%arg0: i32) -> (i32, i32, i32) {
    %c0_i32 = arith.constant 0 : i32
    %c0_i32_0 = arith.constant 0 : i32
    %c0_i32_1 = arith.constant 0 : i32
    return %arg0, %c0_i32, %c0_i32_0 : i32, i32, i32
  }
  func.func @transform_2(%arg0: i32) -> (i32, i32, i32) {
    %c0_i32 = arith.constant 0 : i32
    %c0_i32_0 = arith.constant 0 : i32
    %c0_i32_1 = arith.constant 0 : i32
    return %arg0, %c0_i32, %c0_i32_0 : i32, i32, i32
  }
  func.func @transform_3(%arg0: i32) -> (i32, i32, i32) {
    %c0_i32 = arith.constant 0 : i32
    %c0_i32_0 = arith.constant 0 : i32
    %c0_i32_1 = arith.constant 0 : i32
    return %arg0, %c0_i32, %c0_i32_0 : i32, i32, i32
  }
  func.func @transform_4(%arg0: i32) -> (i32, i32, i32) {
    %c0_i32 = arith.constant 0 : i32
    %c0_i32_0 = arith.constant 0 : i32
    %c0_i32_1 = arith.constant 0 : i32
    return %arg0, %c0_i32, %c0_i32_0 : i32, i32, i32
  }
  func.func @transform_5(%arg0: i32) -> (i32, i32, i32) {
    %c0_i32 = arith.constant 0 : i32
    %c0_i32_0 = arith.constant 0 : i32
    %c0_i32_1 = arith.constant 0 : i32
    return %arg0, %c0_i32, %c0_i32_0 : i32, i32, i32
  }
  func.func @transform_6(%arg0: i32) -> (i32, i32, i32) {
    %c0_i32 = arith.constant 0 : i32
    %c0_i32_0 = arith.constant 0 : i32
    %c0_i32_1 = arith.constant 0 : i32
    return %arg0, %c0_i32, %c0_i32_0 : i32, i32, i32
  }
  func.func @transform_7(%arg0: i32) -> (i32, i32, i32) {
    %c0_i32 = arith.constant 0 : i32
    %c0_i32_0 = arith.constant 0 : i32
    %c0_i32_1 = arith.constant 0 : i32
    return %arg0, %c0_i32, %c0_i32_0 : i32, i32, i32
  }
  func.func @transform_8(%arg0: i32) -> (i32, i32, i32) {
    %c0_i32 = arith.constant 0 : i32
    %c0_i32_0 = arith.constant 0 : i32
    %c0_i32_1 = arith.constant 0 : i32
    return %arg0, %c0_i32, %c0_i32_0 : i32, i32, i32
  }
}

module attributes {stable_mosaic.version = 14 : i64} {
  func.func @_final_body(%arg0: i32, %arg1: memref<1x1024x256xf32, #tpu.memory_space<vmem>>, %arg2: memref<1x1024x1xi32, #tpu.memory_space<vmem>>, %arg3: memref<1x1024x1xf32, #tpu.memory_space<vmem>>, %arg4: memref<1x1024x1xf32, #tpu.memory_space<vmem>>, %arg5: memref<1x1024x1xf32, #tpu.memory_space<vmem>>, %arg6: memref<1x256x256xf32, #tpu.memory_space<vmem>>, %arg7: memref<1x1x256xf32, #tpu.memory_space<vmem>>, %arg8: memref<256x256xf32, #tpu.memory_space<vmem>>, %arg9: memref<256x256xf32, #tpu.memory_space<vmem>>, %arg10: memref<256x256xf32, #tpu.memory_space<vmem>>, %arg11: memref<256x4xf32, #tpu.memory_space<vmem>>, %arg12: memref<8x256xf32, #tpu.memory_space<vmem>>, %arg13: memref<1x1024x256xf32, #tpu.memory_space<vmem>>, %arg14: memref<1x1024x4xf32, #tpu.memory_space<vmem>>, %arg15: memref<1x1024x4xf32, #tpu.memory_space<vmem>>) attributes {dimension_semantics = [#tpu.dimension_semantics<arbitrary>], iteration_bounds = array<i64: 4>, scalar_prefetch = 0 : i64, scratch_operands = 0 : i64, tpu.core_type = #tpu.core_type<tc>, window_params = [{transform_indices = @transform_0, window_bounds = array<i64: 1, 1024, 256>}, {transform_indices = @transform_1, window_bounds = array<i64: 1, 1024, 1>}, {transform_indices = @transform_2, window_bounds = array<i64: 1, 1024, 1>}, {transform_indices = @transform_3, window_bounds = array<i64: 1, 1024, 1>}, {transform_indices = @transform_4, window_bounds = array<i64: 1, 1024, 1>}, {transform_indices = @transform_5, window_bounds = array<i64: 1, 256, 256>}, {transform_indices = @transform_6, window_bounds = array<i64: 1, 1, 256>}, {pipeline_mode = #tpu.pipeline_mode<synchronous>, transform_indices = @transform_7, window_bounds = array<i64: 256, 256>}, {pipeline_mode = #tpu.pipeline_mode<synchronous>, transform_indices = @transform_8, window_bounds = array<i64: 256, 256>}, {pipeline_mode = #tpu.pipeline_mode<synchronous>, transform_indices = @transform_9, window_bounds = array<i64: 256, 256>}, {pipeline_mode = #tpu.pipeline_mode<synchronous>, transform_indices = @transform_10, window_bounds = array<i64: 256, 4>}, {pipeline_mode = #tpu.pipeline_mode<synchronous>, transform_indices = @transform_11, window_bounds = array<i64: 8, 256>}, {transform_indices = @transform_12, window_bounds = array<i64: 1, 1024, 256>}, {transform_indices = @transform_13, window_bounds = array<i64: 1, 1024, 4>}, {transform_indices = @transform_14, window_bounds = array<i64: 1, 1024, 4>}]} {
    %get3A = arith.constant 0 : index
    %get3A_0 = arith.constant 0 : index
    %get3A_1 = arith.constant 0 : index
    %get3A_2 = vector.load %arg1[%get3A, %get3A_0, %get3A_1] : memref<1x1024x256xf32, #tpu.memory_space<vmem>>, vector<1x1024x256xf32>
    %get3A_3 = vector.shape_cast %get3A_2 : vector<1x1024x256xf32> to vector<1024x256xf32>
    %get3A_4 = arith.constant 0 : index
    %get3A_5 = arith.constant 0 : index
    %get3A_6 = vector.load %arg8[%get3A_4, %get3A_5] : memref<256x256xf32, #tpu.memory_space<vmem>>, vector<256x256xf32>
    %dot_general3A = arith.constant dense<0.000000e+00> : vector<1024x256xf32>
    %dot_general3A_7 = tpu.matmul %get3A_3, %get3A_6, %dot_general3A {dimension_numbers = #tpu.dot_dimension_numbers<[1], [0], [0], [1], [0, 0, 1, 1], [], []>, transpose_lhs_hint = false} : vector<1024x256xf32>, vector<256x256xf32>, vector<1024x256xf32> -> vector<1024x256xf32>
    %get3A_8 = arith.constant 0 : index
    %get3A_9 = arith.constant 0 : index
    %get3A_10 = vector.load %arg12[%get3A_8, %get3A_9] : memref<8x256xf32, #tpu.memory_space<vmem>>, vector<1x256xf32>
    %add3A = vector.broadcast %get3A_10 : vector<1x256xf32> to vector<1024x256xf32>
    %add3A_11 = arith.addf %dot_general3A_7, %add3A : vector<1024x256xf32>
    %reduce_sum3A = arith.constant dense<0.000000e+00> : vector<1024xf32>
    %reduce_sum3A_12 = vector.multi_reduction <add>, %add3A_11, %reduce_sum3A [1] : vector<1024x256xf32> to vector<1024xf32>
    %broadcast_in_dim3A = vector.shape_cast %reduce_sum3A_12 : vector<1024xf32> to vector<1024x1xf32>
    %div3A = arith.constant 2.560000e+02 : f32
    %div3A_13 = vector.broadcast %div3A : f32 to vector<1024x1xf32>
    %div3A_14 = arith.divf %broadcast_in_dim3A, %div3A_13 : vector<1024x1xf32>
    %sub3A = vector.broadcast %div3A_14 : vector<1024x1xf32> to vector<1024x256xf32>
    %sub3A_15 = arith.subf %add3A_11, %sub3A : vector<1024x256xf32>
    %integer_pow3A = arith.mulf %sub3A_15, %sub3A_15 : vector<1024x256xf32>
    %reduce_sum3A_16 = arith.constant dense<0.000000e+00> : vector<1024xf32>
    %reduce_sum3A_17 = vector.multi_reduction <add>, %integer_pow3A, %reduce_sum3A_16 [1] : vector<1024x256xf32> to vector<1024xf32>
    %broadcast_in_dim3A_18 = vector.shape_cast %reduce_sum3A_17 : vector<1024xf32> to vector<1024x1xf32>
    %div3A_19 = arith.constant 2.560000e+02 : f32
    %div3A_20 = vector.broadcast %div3A_19 : f32 to vector<1024x1xf32>
    %div3A_21 = arith.divf %broadcast_in_dim3A_18, %div3A_20 : vector<1024x1xf32>
    %sub3A_22 = vector.broadcast %div3A_14 : vector<1024x1xf32> to vector<1024x256xf32>
    %sub3A_23 = arith.subf %add3A_11, %sub3A_22 : vector<1024x256xf32>
    %add3A_24 = arith.constant 9.99999974E-6 : f32
    %add3A_25 = vector.broadcast %add3A_24 : f32 to vector<1024x1xf32>
    %add3A_26 = arith.addf %div3A_21, %add3A_25 : vector<1024x1xf32>
    %sqrt3A = math.sqrt %add3A_26 : vector<1024x1xf32>
    %div3A_27 = vector.broadcast %sqrt3A : vector<1024x1xf32> to vector<1024x256xf32>
    %div3A_28 = arith.divf %sub3A_23, %div3A_27 : vector<1024x256xf32>
    %get3A_29 = arith.constant 1 : index
    %get3A_30 = arith.constant 0 : index
    %get3A_31 = vector.load %arg12[%get3A_29, %get3A_30] : memref<8x256xf32, #tpu.memory_space<vmem>>, vector<1x256xf32>
    %mul3A = vector.broadcast %get3A_31 : vector<1x256xf32> to vector<1024x256xf32>
    %mul3A_32 = arith.mulf %div3A_28, %mul3A : vector<1024x256xf32>
    %get3A_33 = arith.constant 2 : index
    %get3A_34 = arith.constant 0 : index
    %get3A_35 = vector.load %arg12[%get3A_33, %get3A_34] : memref<8x256xf32, #tpu.memory_space<vmem>>, vector<1x256xf32>
    %add3A_36 = vector.broadcast %get3A_35 : vector<1x256xf32> to vector<1024x256xf32>
    %add3A_37 = arith.addf %mul3A_32, %add3A_36 : vector<1024x256xf32>
    %get3A_38 = arith.constant 0 : index
    %get3A_39 = arith.constant 0 : index
    %get3A_40 = arith.constant 0 : index
    %get3A_41 = vector.load %arg6[%get3A_38, %get3A_39, %get3A_40] : memref<1x256x256xf32, #tpu.memory_space<vmem>>, vector<1x256x256xf32>
    %get3A_42 = vector.shape_cast %get3A_41 : vector<1x256x256xf32> to vector<256x256xf32>
    %dot_general3A_43 = arith.constant dense<0.000000e+00> : vector<1024x256xf32>
    %dot_general3A_44 = tpu.matmul %add3A_37, %get3A_42, %dot_general3A_43 {dimension_numbers = #tpu.dot_dimension_numbers<[1], [1], [0], [0], [0, 0, 1, 0], [], []>, transpose_lhs_hint = false} : vector<1024x256xf32>, vector<256x256xf32>, vector<1024x256xf32> -> vector<1024x256xf32>
    %get3A_45 = arith.constant 0 : index
    %get3A_46 = arith.constant 0 : index
    %get3A_47 = arith.constant 0 : index
    %get3A_48 = vector.load %arg7[%get3A_45, %get3A_46, %get3A_47] : memref<1x1x256xf32, #tpu.memory_space<vmem>>, vector<1x1x256xf32>
    %get3A_49 = vector.shape_cast %get3A_48 : vector<1x1x256xf32> to vector<1x256xf32>
    %gt3A = arith.constant 0.000000e+00 : f32
    %gt3A_50 = vector.broadcast %gt3A : f32 to vector<1x256xf32>
    %gt3A_51 = arith.cmpf ogt, %get3A_49, %gt3A_50 : vector<1x256xf32>
    %jit3A = arith.constant -1.000000e+09 : f32
    %broadcast_in_dim3A_52 = vector.shape_cast %gt3A_51 : vector<1x256xi1> to vector<1x256xi1>
    %broadcast_in_dim3A_53 = vector.broadcast %broadcast_in_dim3A_52 : vector<1x256xi1> to vector<1024x256xi1>
    %broadcast_in_dim3A_54 = vector.broadcast %jit3A : f32 to vector<1024x256xf32>
    %select_n3A = arith.select %broadcast_in_dim3A_53, %dot_general3A_44, %broadcast_in_dim3A_54 : vector<1024x256xi1>, vector<1024x256xf32>
    %get3A_55 = arith.constant 0 : index
    %get3A_56 = arith.constant 0 : index
    %get3A_57 = arith.constant 0 : index
    %get3A_58 = vector.load %arg3[%get3A_55, %get3A_56, %get3A_57] : memref<1x1024x1xf32, #tpu.memory_space<vmem>>, vector<1x1024x1xf32>
    %get3A_59 = vector.shape_cast %get3A_58 : vector<1x1024x1xf32> to vector<1024x1xf32>
    %eq3A = arith.constant -1.000000e+09 : f32
    %eq3A_60 = vector.broadcast %eq3A : f32 to vector<1024x1xf32>
    %eq3A_61 = arith.cmpf oeq, %get3A_59, %eq3A_60 : vector<1024x1xf32>
    %jit3A_62 = arith.constant -1.000000e+09 : f32
    %broadcast_in_dim3A_63 = vector.shape_cast %eq3A_61 : vector<1024x1xi1> to vector<1024x1xi1>
    %broadcast_in_dim3A_64 = vector.broadcast %broadcast_in_dim3A_63 : vector<1024x1xi1> to vector<1024x256xi1>
    %broadcast_in_dim3A_65 = vector.broadcast %jit3A_62 : f32 to vector<1024x256xf32>
    %select_n3A_66 = arith.select %broadcast_in_dim3A_64, %broadcast_in_dim3A_65, %select_n3A : vector<1024x256xi1>, vector<1024x256xf32>
    %swap3A = arith.constant 0 : index
    %swap3A_67 = arith.constant 0 : index
    %swap3A_68 = arith.constant 0 : index
    %swap3A_69 = vector.load %arg13[%swap3A, %swap3A_67, %swap3A_68] : memref<1x1024x256xf32, #tpu.memory_space<vmem>>, vector<1x1024x256xf32>
    %swap3A_70 = vector.shape_cast %swap3A_69 : vector<1x1024x256xf32> to vector<1024x256xf32>
    %swap3A_71 = vector.shape_cast %select_n3A_66 : vector<1024x256xf32> to vector<1x1024x256xf32>
    tpu.vector_store %arg13[%swap3A, %swap3A_67, %swap3A_68], %swap3A_71 {strides = array<i32>} : memref<1x1024x256xf32, #tpu.memory_space<vmem>>, vector<1x1024x256xf32>,
    %get3A_72 = arith.constant 0 : index
    %get3A_73 = arith.constant 0 : index
    %get3A_74 = vector.load %arg9[%get3A_72, %get3A_73] : memref<256x256xf32, #tpu.memory_space<vmem>>, vector<256x256xf32>
    %dot_general3A_75 = arith.constant dense<0.000000e+00> : vector<1024x256xf32>
    %dot_general3A_76 = tpu.matmul %add3A_37, %get3A_74, %dot_general3A_75 {dimension_numbers = #tpu.dot_dimension_numbers<[1], [0], [0], [1], [0, 0, 1, 1], [], []>, transpose_lhs_hint = false} : vector<1024x256xf32>, vector<256x256xf32>, vector<1024x256xf32> -> vector<1024x256xf32>
    %get3A_77 = arith.constant 3 : index
    %get3A_78 = arith.constant 0 : index
    %get3A_79 = vector.load %arg12[%get3A_77, %get3A_78] : memref<8x256xf32, #tpu.memory_space<vmem>>, vector<1x256xf32>
    %add3A_80 = vector.broadcast %get3A_79 : vector<1x256xf32> to vector<1024x256xf32>
    %add3A_81 = arith.addf %dot_general3A_76, %add3A_80 : vector<1024x256xf32>
    %max3A = arith.constant 0.000000e+00 : f32
    %max3A_82 = vector.broadcast %max3A : f32 to vector<1024x256xf32>
    %max3A_83 = arith.maximumf %add3A_81, %max3A_82 : vector<1024x256xf32>
    %get3A_84 = arith.constant 0 : index
    %get3A_85 = arith.constant 0 : index
    %get3A_86 = vector.load %arg10[%get3A_84, %get3A_85] : memref<256x256xf32, #tpu.memory_space<vmem>>, vector<256x256xf32>
    %dot_general3A_87 = arith.constant dense<0.000000e+00> : vector<1024x256xf32>
    %dot_general3A_88 = tpu.matmul %max3A_83, %get3A_86, %dot_general3A_87 {dimension_numbers = #tpu.dot_dimension_numbers<[1], [0], [0], [1], [0, 0, 1, 1], [], []>, transpose_lhs_hint = false} : vector<1024x256xf32>, vector<256x256xf32>, vector<1024x256xf32> -> vector<1024x256xf32>
    %get3A_89 = arith.constant 4 : index
    %get3A_90 = arith.constant 0 : index
    %get3A_91 = vector.load %arg12[%get3A_89, %get3A_90] : memref<8x256xf32, #tpu.memory_space<vmem>>, vector<1x256xf32>
    %add3A_92 = vector.broadcast %get3A_91 : vector<1x256xf32> to vector<1024x256xf32>
    %add3A_93 = arith.addf %dot_general3A_88, %add3A_92 : vector<1024x256xf32>
    %max3A_94 = arith.constant 0.000000e+00 : f32
    %max3A_95 = vector.broadcast %max3A_94 : f32 to vector<1024x256xf32>
    %max3A_96 = arith.maximumf %add3A_93, %max3A_95 : vector<1024x256xf32>
    %get3A_97 = arith.constant 0 : index
    %get3A_98 = arith.constant 0 : index
    %get3A_99 = vector.load %arg11[%get3A_97, %get3A_98] : memref<256x4xf32, #tpu.memory_space<vmem>>, vector<256x4xf32>
    %dot_general3A_100 = arith.constant dense<0.000000e+00> : vector<1024x4xf32>
    %dot_general3A_101 = tpu.matmul %max3A_96, %get3A_99, %dot_general3A_100 {dimension_numbers = #tpu.dot_dimension_numbers<[1], [0], [0], [1], [0, 0, 1, 1], [], []>, transpose_lhs_hint = false} : vector<1024x256xf32>, vector<256x4xf32>, vector<1024x4xf32> -> vector<1024x4xf32>
    %get3A_102 = arith.constant 5 : index
    %get3A_103 = arith.constant 0 : index
    %get3A_104 = vector.load %arg12[%get3A_102, %get3A_103] : memref<8x256xf32, #tpu.memory_space<vmem>>, vector<1x4xf32>
    %add3A_105 = vector.broadcast %get3A_104 : vector<1x4xf32> to vector<1024x4xf32>
    %add3A_106 = arith.addf %dot_general3A_101, %add3A_105 : vector<1024x4xf32>
    %get3A_107 = arith.constant 0 : index
    %get3A_108 = arith.constant 0 : index
    %get3A_109 = arith.constant 0 : index
    %get3A_110 = vector.load %arg2[%get3A_107, %get3A_108, %get3A_109] : memref<1x1024x1xi32, #tpu.memory_space<vmem>>, vector<1x1024x1xi32>
    %get3A_111 = vector.shape_cast %get3A_110 : vector<1x1024x1xi32> to vector<1024x1xi32>
    %convert_element_type3A = arith.sitofp %get3A_111 : vector<1024x1xi32> to vector<1024x1xf32>
    %get3A_112 = arith.constant 6 : index
    %get3A_113 = arith.constant 0 : index
    %get3A_114 = vector.load %arg12[%get3A_112, %get3A_113] : memref<8x256xf32, #tpu.memory_space<vmem>>, vector<1x1xf32>
    %ge3A = vector.broadcast %get3A_114 : vector<1x1xf32> to vector<1024x1xf32>
    %ge3A_115 = arith.cmpf oge, %convert_element_type3A, %ge3A : vector<1024x1xf32>
    %convert_element_type3A_116 = arith.extui %ge3A_115 : vector<1024x1xi1> to vector<1024x1xi32>
    %convert_element_type3A_117 = arith.sitofp %convert_element_type3A_116 : vector<1024x1xi32> to vector<1024x1xf32>
    %get3A_118 = arith.constant 6 : index
    %get3A_119 = arith.constant 1 : index
    %get3A_120 = vector.load %arg12[%get3A_118, %get3A_119] : memref<8x256xf32, #tpu.memory_space<vmem>>, vector<1x1xf32>
    %ge3A_121 = vector.broadcast %get3A_120 : vector<1x1xf32> to vector<1024x1xf32>
    %ge3A_122 = arith.cmpf oge, %convert_element_type3A, %ge3A_121 : vector<1024x1xf32>
    %convert_element_type3A_123 = arith.extui %ge3A_122 : vector<1024x1xi1> to vector<1024x1xi32>
    %convert_element_type3A_124 = arith.sitofp %convert_element_type3A_123 : vector<1024x1xi32> to vector<1024x1xf32>
    %add3A_125 = arith.addf %convert_element_type3A_117, %convert_element_type3A_124 : vector<1024x1xf32>
    %get3A_126 = arith.constant 6 : index
    %get3A_127 = arith.constant 2 : index
    %get3A_128 = vector.load %arg12[%get3A_126, %get3A_127] : memref<8x256xf32, #tpu.memory_space<vmem>>, vector<1x1xf32>
    %ge3A_129 = vector.broadcast %get3A_128 : vector<1x1xf32> to vector<1024x1xf32>
    %ge3A_130 = arith.cmpf oge, %convert_element_type3A, %ge3A_129 : vector<1024x1xf32>
    %convert_element_type3A_131 = arith.extui %ge3A_130 : vector<1024x1xi1> to vector<1024x1xi32>
    %convert_element_type3A_132 = arith.sitofp %convert_element_type3A_131 : vector<1024x1xi32> to vector<1024x1xf32>
    %add3A_133 = arith.addf %add3A_125, %convert_element_type3A_132 : vector<1024x1xf32>
    %eq3A_134 = arith.constant 0.000000e+00 : f32
    %eq3A_135 = vector.broadcast %eq3A_134 : f32 to vector<1024x1xf32>
    %eq3A_136 = arith.cmpf oeq, %add3A_133, %eq3A_135 : vector<1024x1xf32>
    %eq3A_137 = arith.constant 1.000000e+00 : f32
    %eq3A_138 = vector.broadcast %eq3A_137 : f32 to vector<1024x1xf32>
    %eq3A_139 = arith.cmpf oeq, %add3A_133, %eq3A_138 : vector<1024x1xf32>
    %eq3A_140 = arith.constant 2.000000e+00 : f32
    %eq3A_141 = vector.broadcast %eq3A_140 : f32 to vector<1024x1xf32>
    %eq3A_142 = arith.cmpf oeq, %add3A_133, %eq3A_141 : vector<1024x1xf32>
    %jit3A_143 = arith.constant 4.000000e+00 : f32
    %jit3A_144 = arith.constant 8.000000e+00 : f32
    %broadcast_in_dim3A_145 = vector.broadcast %jit3A_143 : f32 to vector<1024x1xf32>
    %broadcast_in_dim3A_146 = vector.broadcast %jit3A_144 : f32 to vector<1024x1xf32>
    %select_n3A_147 = arith.select %eq3A_142, %broadcast_in_dim3A_145, %broadcast_in_dim3A_146 : vector<1024x1xi1>, vector<1024x1xf32>
    %jit3A_148 = arith.constant 2.000000e+00 : f32
    %broadcast_in_dim3A_149 = vector.broadcast %jit3A_148 : f32 to vector<1024x1xf32>
    %select_n3A_150 = arith.select %eq3A_139, %broadcast_in_dim3A_149, %select_n3A_147 : vector<1024x1xi1>, vector<1024x1xf32>
    %jit3A_151 = arith.constant 1.000000e+00 : f32
    %broadcast_in_dim3A_152 = vector.broadcast %jit3A_151 : f32 to vector<1024x1xf32>
    %select_n3A_153 = arith.select %eq3A_136, %broadcast_in_dim3A_152, %select_n3A_150 : vector<1024x1xi1>, vector<1024x1xf32>
    %mul3A_154 = arith.constant 5.000000e-02 : f32
    %mul3A_155 = vector.broadcast %mul3A_154 : f32 to vector<1024x1xf32>
    %mul3A_156 = arith.mulf %mul3A_155, %select_n3A_153 : vector<1024x1xf32>
    %get3A_157 = arith.constant 0 : index
    %get3A_158 = arith.constant 0 : index
    %get3A_159 = arith.constant 0 : index
    %get3A_160 = vector.load %arg4[%get3A_157, %get3A_158, %get3A_159] : memref<1x1024x1xf32, #tpu.memory_space<vmem>>, vector<1x1024x1xf32>
    %get3A_161 = vector.shape_cast %get3A_160 : vector<1x1024x1xf32> to vector<1024x1xf32>
    %get3A_162 = arith.constant 0 : index
    %get3A_163 = arith.constant 0 : index
    %get3A_164 = arith.constant 0 : index
    %get3A_165 = vector.load %arg5[%get3A_162, %get3A_163, %get3A_164] : memref<1x1024x1xf32, #tpu.memory_space<vmem>>, vector<1x1024x1xf32>
    %get3A_166 = vector.shape_cast %get3A_165 : vector<1x1024x1xf32> to vector<1024x1xf32>
    %iota3A = tpu.iota {dimensions = array<i32: 1>} : vector<1024x4xi32>
    %eq3A_167 = arith.constant 0 : i32
    %eq3A_168 = vector.broadcast %eq3A_167 : i32 to vector<1024x4xi32>
    %eq3A_169 = arith.cmpi eq, %iota3A, %eq3A_168 : vector<1024x4xi32>
    %eq3A_170 = arith.constant 1 : i32
    %eq3A_171 = vector.broadcast %eq3A_170 : i32 to vector<1024x4xi32>
    %eq3A_172 = arith.cmpi eq, %iota3A, %eq3A_171 : vector<1024x4xi32>
    %broadcast_in_dim3A_173 = vector.shape_cast %get3A_166 : vector<1024x1xf32> to vector<1024x1xf32>
    %broadcast_in_dim3A_174 = vector.broadcast %broadcast_in_dim3A_173 : vector<1024x1xf32> to vector<1024x4xf32>
    %broadcast_in_dim3A_175 = vector.shape_cast %mul3A_156 : vector<1024x1xf32> to vector<1024x1xf32>
    %broadcast_in_dim3A_176 = vector.broadcast %broadcast_in_dim3A_175 : vector<1024x1xf32> to vector<1024x4xf32>
    %select_n3A_177 = arith.select %eq3A_172, %broadcast_in_dim3A_174, %broadcast_in_dim3A_176 : vector<1024x4xi1>, vector<1024x4xf32>
    %broadcast_in_dim3A_178 = vector.shape_cast %get3A_161 : vector<1024x1xf32> to vector<1024x1xf32>
    %broadcast_in_dim3A_179 = vector.broadcast %broadcast_in_dim3A_178 : vector<1024x1xf32> to vector<1024x4xf32>
    %select_n3A_180 = arith.select %eq3A_169, %broadcast_in_dim3A_179, %select_n3A_177 : vector<1024x4xi1>, vector<1024x4xf32>
    %jit3A_181 = arith.constant 0.00999999977 : f32
    %jit3A_182 = arith.constant 9.900000e-01 : f32
    %max3A_183 = vector.broadcast %jit3A_181 : f32 to vector<1024x4xf32>
    %max3A_184 = arith.maximumf %max3A_183, %select_n3A_180 : vector<1024x4xf32>
    %min3A = vector.broadcast %jit3A_182 : f32 to vector<1024x4xf32>
    %min3A_185 = arith.minimumf %min3A, %max3A_184 : vector<1024x4xf32>
    %sub3A_186 = arith.constant 1.000000e+00 : f32
    %sub3A_187 = vector.broadcast %sub3A_186 : f32 to vector<1024x4xf32>
    %sub3A_188 = arith.subf %sub3A_187, %min3A_185 : vector<1024x4xf32>
    %div3A_189 = arith.divf %min3A_185, %sub3A_188 : vector<1024x4xf32>
    %log3A = math.log %div3A_189 : vector<1024x4xf32>
    %add3A_190 = arith.addf %log3A, %add3A_106 : vector<1024x4xf32>
    %logistic3A = arith.negf %add3A_190 : vector<1024x4xf32>
    %logistic3A_191 = math.exp %logistic3A : vector<1024x4xf32>
    %logistic3A_192 = arith.constant 1.000000e+00 : f32
    %logistic3A_193 = vector.broadcast %logistic3A_192 : f32 to vector<1024x4xf32>
    %logistic3A_194 = arith.addf %logistic3A_193, %logistic3A_191 : vector<1024x4xf32>
    %logistic3A_195 = arith.divf %logistic3A_193, %logistic3A_194 : vector<1024x4xf32>
    %swap3A_196 = arith.constant 0 : index
    %swap3A_197 = arith.constant 0 : index
    %swap3A_198 = arith.constant 0 : index
    %swap3A_199 = vector.load %arg14[%swap3A_196, %swap3A_197, %swap3A_198] : memref<1x1024x4xf32, #tpu.memory_space<vmem>>, vector<1x1024x4xf32>
    %swap3A_200 = vector.shape_cast %swap3A_199 : vector<1x1024x4xf32> to vector<1024x4xf32>
    %swap3A_201 = vector.shape_cast %logistic3A_195 : vector<1024x4xf32> to vector<1x1024x4xf32>
    tpu.vector_store %arg14[%swap3A_196, %swap3A_197, %swap3A_198], %swap3A_201 {strides = array<i32>} : memref<1x1024x4xf32, #tpu.memory_space<vmem>>, vector<1x1024x4xf32>,
    %swap3A_202 = arith.constant 0 : index
    %swap3A_203 = arith.constant 0 : index
    %swap3A_204 = arith.constant 0 : index
    %swap3A_205 = vector.load %arg15[%swap3A_202, %swap3A_203, %swap3A_204] : memref<1x1024x4xf32, #tpu.memory_space<vmem>>, vector<1x1024x4xf32>
    %swap3A_206 = vector.shape_cast %swap3A_205 : vector<1x1024x4xf32> to vector<1024x4xf32>
    %swap3A_207 = vector.shape_cast %add3A_190 : vector<1024x4xf32> to vector<1x1024x4xf32>
    tpu.vector_store %arg15[%swap3A_202, %swap3A_203, %swap3A_204], %swap3A_207 {strides = array<i32>} : memref<1x1024x4xf32, #tpu.memory_space<vmem>>, vector<1x1024x4xf32>,
    return
  }
  func.func @transform_0(%arg0: i32) -> (i32, i32, i32) {
    %c0_i32 = arith.constant 0 : i32
    %c0_i32_0 = arith.constant 0 : i32
    %c0_i32_1 = arith.constant 0 : i32
    return %arg0, %c0_i32, %c0_i32_0 : i32, i32, i32
  }
  func.func @transform_1(%arg0: i32) -> (i32, i32, i32) {
    %c0_i32 = arith.constant 0 : i32
    %c0_i32_0 = arith.constant 0 : i32
    %c0_i32_1 = arith.constant 0 : i32
    return %arg0, %c0_i32, %c0_i32_0 : i32, i32, i32
  }
  func.func @transform_2(%arg0: i32) -> (i32, i32, i32) {
    %c0_i32 = arith.constant 0 : i32
    %c0_i32_0 = arith.constant 0 : i32
    %c0_i32_1 = arith.constant 0 : i32
    return %arg0, %c0_i32, %c0_i32_0 : i32, i32, i32
  }
  func.func @transform_3(%arg0: i32) -> (i32, i32, i32) {
    %c0_i32 = arith.constant 0 : i32
    %c0_i32_0 = arith.constant 0 : i32
    %c0_i32_1 = arith.constant 0 : i32
    return %arg0, %c0_i32, %c0_i32_0 : i32, i32, i32
  }
  func.func @transform_4(%arg0: i32) -> (i32, i32, i32) {
    %c0_i32 = arith.constant 0 : i32
    %c0_i32_0 = arith.constant 0 : i32
    %c0_i32_1 = arith.constant 0 : i32
    return %arg0, %c0_i32, %c0_i32_0 : i32, i32, i32
  }
  func.func @transform_5(%arg0: i32) -> (i32, i32, i32) {
    %c0_i32 = arith.constant 0 : i32
    %c0_i32_0 = arith.constant 0 : i32
    %c0_i32_1 = arith.constant 0 : i32
    return %arg0, %c0_i32, %c0_i32_0 : i32, i32, i32
  }
  func.func @transform_6(%arg0: i32) -> (i32, i32, i32) {
    %c0_i32 = arith.constant 0 : i32
    %c0_i32_0 = arith.constant 0 : i32
    %c0_i32_1 = arith.constant 0 : i32
    return %arg0, %c0_i32, %c0_i32_0 : i32, i32, i32
  }
  func.func @transform_7(%arg0: i32) -> (i32, i32) {
    %c0_i32 = arith.constant 0 : i32
    %c0_i32_0 = arith.constant 0 : i32
    %c0_i32_1 = arith.constant 0 : i32
    return %c0_i32, %c0_i32_0 : i32, i32
  }
  func.func @transform_8(%arg0: i32) -> (i32, i32) {
    %c0_i32 = arith.constant 0 : i32
    %c0_i32_0 = arith.constant 0 : i32
    %c0_i32_1 = arith.constant 0 : i32
    return %c0_i32, %c0_i32_0 : i32, i32
  }
  func.func @transform_9(%arg0: i32) -> (i32, i32) {
    %c0_i32 = arith.constant 0 : i32
    %c0_i32_0 = arith.constant 0 : i32
    %c0_i32_1 = arith.constant 0 : i32
    return %c0_i32, %c0_i32_0 : i32, i32
  }
  func.func @transform_10(%arg0: i32) -> (i32, i32) {
    %c0_i32 = arith.constant 0 : i32
    %c0_i32_0 = arith.constant 0 : i32
    %c0_i32_1 = arith.constant 0 : i32
    return %c0_i32, %c0_i32_0 : i32, i32
  }
  func.func @transform_11(%arg0: i32) -> (i32, i32) {
    %c0_i32 = arith.constant 0 : i32
    %c0_i32_0 = arith.constant 0 : i32
    %c0_i32_1 = arith.constant 0 : i32
    return %c0_i32, %c0_i32_0 : i32, i32
  }
  func.func @transform_12(%arg0: i32) -> (i32, i32, i32) {
    %c0_i32 = arith.constant 0 : i32
    %c0_i32_0 = arith.constant 0 : i32
    %c0_i32_1 = arith.constant 0 : i32
    return %arg0, %c0_i32, %c0_i32_0 : i32, i32, i32
  }
  func.func @transform_13(%arg0: i32) -> (i32, i32, i32) {
    %c0_i32 = arith.constant 0 : i32
    %c0_i32_0 = arith.constant 0 : i32
    %c0_i32_1 = arith.constant 0 : i32
    return %arg0, %c0_i32, %c0_i32_0 : i32, i32, i32
  }
  func.func @transform_14(%arg0: i32) -> (i32, i32, i32) {
    %c0_i32 = arith.constant 0 : i32
    %c0_i32_0 = arith.constant 0 : i32
    %c0_i32_1 = arith.constant 0 : i32
    return %arg0, %c0_i32, %c0_i32_0 : i32, i32, i32
  }
}

</mosaic_0001>

<sc_bundles>
// kernel: kernel.12.cloned.1.call-start
scs
__scs_entry_jumppad:
0x0: {  	(pc) =	sbr.rel $0x88, $3  }
0x1: {  	(tag) =	ssettag $0x0;
	lr =	simm.s32 $0x1  }
0x2: {  	[smem:$0x3F90] =	sst lr;
	_ =	strace $0xD0000000  }
0x3: {  	_ = 	snop  }
0x4: {  	_ = 	snop  }
0x5: {  	_ = 	snop  }
0x6: {  	_ = 	snop  }
0x7: {  	_ = 	snop  }
__scs_overlays_trampoline_lowered:
0x8: {  	[smem:$0x3F9F] =	sst s0  }
0x9: {  	[smem:$0x3FA0] =	sst s1  }
0xa: {  	[smem:$0x3FA1] =	sst s2  }
0xb: {  	[smem:$0x3FA2] =	sst s3  }
0xc: {  	[smem:$0x3FA3] =	sst s4  }
0xd: {  	[smem:$0x3FA4] =	sst s5  }
0xe: {  	[smem:$0x3FA5] =	sst s6  }
0xf: {  	[smem:$0x3FA6] =	sst s7  }
0x10: {  	[smem:$0x3FA7] =	sst s8  }
0x11: {  	[smem:$0x3FA8] =	sst s9;
	s0 =	simm.s32 @!p0 $0x0  }
0x12: {  	s1 =	sld [smem:$0x3F8E];
	s0 =	simm.s32 @p0 $0x1  }
0x13: {  	[smem:$0x3FA9] =	sst s0;
	s0 =	simm.s32 @!p1 $0x0  }
0x14: {  	s2 =	sld [smem:$0x3F8D];
	s0 =	simm.s32 @p1 $0x1  }
0x15: {  	[smem:$0x3FAA] =	sst s0;
	s0 =	simm.s32 @!p2 $0x0  }
0x16: {  	s3 =	sld [smem:$0x3FDB];
	s0 =	simm.s32 @p2 $0x1  }
0x17: {  	s4 =	simm.s32 $0x1BF5;
	[smem:$0x3FAC] =	sst s0  }
0x18: {  	s0 =	sld [smem:$0x3F8F];
	_ =	swait.ge [sflag:s4], $0x0  }
0x19: {  	s7 =	sld [smem:$0x3F90]  }
0x1a: {  	s8 =	sadd.s32 $0xFFFFE003, lr  }
0x1b: {  	s9 =	sadd.s32 $0xFFFFFEF7, lr;
	s5 =	simm.s32 $0xFFFFFFFF;
	p2 =	slt.u32 s8, $0xFFFFF086  }
0x1c: {  	p1 =	slt.u32 s9, $0xF7A;
	s5 =	simm.s32 @!p2 $0x0  }
0x1d: {  	s5 =	simm.s32 @p1 $0x1;
	p0 =	seq.s32 s7, s2  }
0x1e: {  	s7 =	smul.u32 @!p0 $0xF7A, s2;
	p2 =	seq.s32 @!p0 s5, $0x0  }
0x1f: {  	s9 =	smul.u32 $0xF7A, s1;
	s8 =	simm.s32 @!p0 $0x1BF5;
	p2 =	por !p2, p0  }
0x20: {  	[sflag:s8] =	ssyncset.s32 @!p0 $0xFFFFF086;
	s6 =	sadd.s32 @!p0 s3, s7;
	s7 =	simm.s32 @!p0 $0x108  }
0x21: {  	s3 =	sadd.s32 s3, s9;
	s6 =	sadd.s32 @!p0 $0x88, s6;
	s7 =	simm.s32 @p2 $0x1082  }
0x22: {  	[simem:s7], [sflag:s8] =	dma.local @!p0 [hbm:s6], $0xF7A  }
0x23: {  	s9 =	sor.u32 $0xD0000000, s2;
	s6 =	simm.s32 $0x108;
	_ =	swait.ge @!p0 [sflag:s8], $0x0  }
0x24: {  	s3 =	sadd.s32 $0x88, s3;
	s6 =	simm.s32 @!p1 $0x1082;
	[sflag:s4] =	ssyncset.s32 $0xFFFFF086  }
0x25: {  	[simem:s6], [sflag:s4] =	dma.local [hbm:s3], $0xF7A  }
0x26: {  	[smem:$0x3F90] =	sst s1;
	(tag) =	ssettag s2;
	_ =	strace s9  }
0x27: {  	s1 =	sld [smem:$0x3FA0]  }
0x28: {  	s2 =	sld [smem:$0x3FA1]  }
0x29: {  	s4 =	sld [smem:$0x3FA3]  }
0x2a: {  	p0 =	seq.s32 s5, $0x0;
	s5 =	sld [smem:$0x3FA4]  }
0x2b: {  	s6 =	sld [smem:$0x3FA5]  }
0x2c: {  	s7 =	sld [smem:$0x3FA6]  }
0x2d: {  	s3 =	simm.s32 $0x108;
	s8 =	sld [smem:$0x3FA7]  }
0x2e: {  	s3 =	simm.s32 @!p0 $0x1082;
	s9 =	sld [smem:$0x3FA8]  }
0x2f: {  	lr =	sadd.s32 s0, s3;
	s0 =	sld [smem:$0x3F9F]  }
0x30: {  	s3 =	sld [smem:$0x3FA2]  }
0x31: {  	[smem:$0x3FAB] =	sst s10  }
0x32: {  	s10 =	sld [smem:$0x3FA9];
	_ =	sdelay $0x3  }
0x33: {  	p0 =	seq.s32 s10, $0x1;
	s10 =	sld [smem:$0x3FAB];
	_ =	sdelay $0x3  }
0x34: {  	[smem:$0x3FAB] =	sst s10  }
0x35: {  	s10 =	sld [smem:$0x3FAA];
	_ =	sdelay $0x3  }
0x36: {  	p1 =	seq.s32 s10, $0x1;
	s10 =	sld [smem:$0x3FAB];
	_ =	sdelay $0x3  }
0x37: {  	[smem:$0x3FAB] =	sst s10  }
0x38: {  	s10 =	sld [smem:$0x3FAC]  }
0x39: {  	_ = 	snop;
	(pc) =	sbr.ind lr, $3  }
0x3a: {  	_ = 	snop  }
0x3b: {  	_ = 	snop  }
0x3c: {  	p2 =	seq.s32 s10, $0x1;
	s10 =	sld [smem:$0x3FAB]  }
0x3d: {  	_ =	shalt  }
0x3e: {  	_ =	shalt  }
0x3f: {  	_ =	shalt  }
0x40: {  	_ =	shalt  }
0x41: {  	_ =	shalt  }
0x42: {  	_ =	shalt  }
0x43: {  	_ =	shalt  }
0x44: {  	_ =	shalt  }
0x45: {  	_ =	shalt  }
0x46: {  	_ =	shalt  }
0x47: {  	_ =	shalt  }
0x48: {  	_ =	shalt  }
0x49: {  	_ =	shalt  }
0x4a: {  	_ =	shalt  }
0x4b: {  	_ =	shalt  }
0x4c: {  	_ =	shalt  }
0x4d: {  	_ =	shalt  }
0x4e: {  	_ =	shalt  }
0x4f: {  	_ =	shalt  }
0x50: {  	_ =	shalt  }
0x51: {  	_ =	shalt  }
0x52: {  	_ =	shalt  }
0x53: {  	_ =	shalt  }
0x54: {  	_ =	shalt  }
0x55: {  	_ =	shalt  }
0x56: {  	_ =	shalt  }
0x57: {  	_ =	shalt  }
0x58: {  	_ =	shalt  }
0x59: {  	_ =	shalt  }
0x5a: {  	_ =	shalt  }
0x5b: {  	_ =	shalt  }
0x5c: {  	_ =	shalt  }
0x5d: {  	_ =	shalt  }
0x5e: {  	_ =	shalt  }
0x5f: {  	_ =	shalt  }
0x60: {  	_ =	shalt  }
0x61: {  	_ =	shalt  }
0x62: {  	_ =	shalt  }
0x63: {  	_ =	shalt  }
0x64: {  	_ =	shalt  }
0x65: {  	_ =	shalt  }
0x66: {  	_ =	shalt  }
0x67: {  	_ =	shalt  }
0x68: {  	_ =	shalt  }
0x69: {  	_ =	shalt  }
0x6a: {  	_ =	shalt  }
0x6b: {  	_ =	shalt  }
0x6c: {  	_ =	shalt  }
0x6d: {  	_ =	shalt  }
0x6e: {  	_ =	shalt  }
0x6f: {  	_ =	shalt  }
0x70: {  	_ =	shalt  }
0x71: {  	_ =	shalt  }
0x72: {  	_ =	shalt  }
0x73: {  	_ =	shalt  }
0x74: {  	_ =	shalt  }
0x75: {  	_ =	shalt  }
0x76: {  	_ =	shalt  }
0x77: {  	_ =	shalt  }
0x78: {  	_ =	shalt  }
0x79: {  	_ =	shalt  }
0x7a: {  	_ =	shalt  }
0x7b: {  	_ =	shalt  }
0x7c: {  	_ =	shalt  }
0x7d: {  	_ =	shalt  }
0x7e: {  	_ =	shalt  }
0x7f: {  	_ =	shalt  }
0x80: {  	_ =	shalt  }
0x81: {  	_ =	shalt  }
0x82: {  	_ =	shalt  }
0x83: {  	_ =	shalt  }
0x84: {  	_ =	shalt  }
0x85: {  	_ =	shalt  }
0x86: {  	_ =	shalt  }
0x87: {  	_ =	shalt  }
.Lfunc_end0:
.L_simem_size_0:
called_computation.1_lowered:
.L_overlay_start_0:
0x88: {  	s2 =	sld [smem:$0x3FD9]  }
0x89: {  	s3 =	sld [smem:$0x3FFE];
	_ =	sdelay $0x1  }
0x8a: {  	s1 =	srdreg.scid  }
0x8b: {  	s0 =	sand.u32 $0x1, s1  }
0x8c: {  	s14 =	sshll.u32 s0, $0xA;
	s2 =	sadd.s32 s3, s2  }
0x8d: {  	s2 =	sadd.s32 s2, s14  }
0x8e: {  	[smem:$0x3FB7] =	sst s2  }
0x8f: {  	_ = 	snop  }
0x90: {  	s2 =	sld [smem:$0x3FD0];
	_ =	sdelay $0x2  }
0x91: {  	s4 =	simm.s32 $0xA;
	s5 =	simm.s32 $0x10;
	s15 =	sld [smem:$0x3FC9]  }
0x92: {  	[smem:s5], [sflag:s4] =	dma.local [hbm:s2], $0x1  }
0x93: {  	_ =	swait.eq [sflag:s4], $0x1  }
0x94: {  	[sflag:s4] =	ssyncset.done $0x0  }
0x95: {  	[sflag:s4] =	ssyncadd.s32 $0xFFFFFFFF  }
0x96: {  	s16 =	sld [smem:$0x14];
	(tm) =	ssettm $0x1  }
0x97: {  	s17 =	sld [smem:$0x3FFB];
	_ =	sdelay $0x3  }
0x98: {  	_ =	strace s17  }
0x99: {  	s4 =	sld [smem:$0x3FFC];
	_ =	sdelay $0x3  }
0x9a: {  	_ =	strace s4  }
0x9b: {  	s4 =	sld [smem:$0x3FFD];
	_ =	sdelay $0x3  }
0x9c: {  	_ =	strace s4  }
0x9d: {  	_ =	strace $0x8FFFFFFF  }
0x9e: {  	s18 =	sld [smem:$0x3FDB];
	_ =	sdelay $0x1  }
0x9f: {  	s19 =	simm.s32 $_scs_section_size  }
0xa0: {  	s6 =	simm.s32 $_size__tile_overlayer_lowered;
	s7 =	simm.s32 $_tile_overlayer_lowered  }
0xa1: {  	s22 =	simm.s32 $0x1BFF;
	s21 =	sshll.u32 s7, $0x1;
	s4 =	sadd.s32 s19, s18  }
0xa2: {  	s8 =	simm.s32 $0x0;
	s20 =	sshll.u32 s6, $0x1;
	s6 =	sadd.s32 s21, s4  }
0xa3: {  	[timem:s8], [sflag:s22] =	dma.local [hbm:s6], s20  }
0xa4: {  	_ =	swait.ge [sflag:s22], s20  }
0xa5: {  	s5 =	ssub.s32 $0x0, s20;
	[sflag:s22] =	ssyncset.done $0x0  }
0xa6: {  	[sflag:s22] =	ssyncadd.s32 s5;
	_ =	sdelay $0x1  }
0xa7: {  	s23 =	simm.s32 $0x1B8B  }
0xa8: {  	_ =	swait.ge [sflag:s23], $0x1  }
0xa9: {  	[sflag:s23] =	ssyncset.done $0x0  }
0xaa: {  	s25 =	simm.s32 $0x1B8E;
	s24 =	sld [smem:$0x3FFE];
	[sflag:s23] =	ssyncadd.s32 $0xFFFFFFFF  }
0xab: {  	s26 =	simm.s32 $execute0_lowered;
	[smem:$0x3FD2] =	sst s25  }
0xac: {  	s6 =	sshll.u32 s26, $0x1;
	_ =	strace $0x80000049;
	[dreg:$0x1] =	wrdreg $0xFFFFFFFF  }
0xad: {  	s28 =	simm.s32 $_size_execute0_lowered;
	s4 =	sadd.s32 s4, s6;
	[dreg:$0x0] =	wrdreg $0x0  }
0xae: {  	s6 =	sshll.u32 s28, $0x1;
	[dreg:$0x2] =	wrdreg s4  }
0xaf: {  	[dreg:$0x3] =	wrdreg s6  }
0xb0: {  	[dreg:$0x4] =	wrdreg $0xC0  }
0xb1: {  	_ =	task [dreg:s8], $0x5FFFF  }
0xb2: {  	[dreg:$0x1] =	wrdreg $0xFFFFFFFF  }
0xb3: {  	[dreg:$0x0] =	wrdreg $0x60  }
0xb4: {  	[dreg:$0x2] =	wrdreg s15  }
0xb5: {  	[dreg:$0x3] =	wrdreg s16  }
0xb6: {  	[dreg:$0x4] =	wrdreg s24  }
0xb7: {  	[dreg:$0x5] =	wrdreg $0x9  }
0xb8: {  	_ =	task.clear_ibuf [dreg:s8], $0x6FFFF;
	_ =	strace $0x90000049  }
0xb9: {  	s29 =	simm.s32 $0x9;
	_ =	strace $0x8000004B  }
0xba: {  	_ =	swait.ge [sflag:s29], $0x1  }
0xbb: {  	[sflag:s29] =	ssyncadd.s32 $0xFFFFFFFF  }
0xbc: {  	_ =	strace $0x9000004B  }
0xbd: {  	_ =	sfence  }
0xbe: {  	s30 =	sld [smem:$0x0];
	_ =	sdelay $0x2  }
0xbf: {  	s31 =	sshll.u32 s1, $0xD;
	s1 =	sshrl.u32 s1, $0x2  }
0xc0: {  	s3 =	sand.u32 $0x4000, s31;
	s1 =	sadd.s32 s1, s30  }
0xc1: {  	s0 =	sor.u32 s3, s0;
	s1 =	sshll.u32 s1, $0x11  }
0xc2: {  	s0 =	sor.u32 s1, s0  }
0xc3: {  	s0 =	sadd.s32 $0x8F2B, s0  }
0xc4: {  	[sflag:s0] =	ssyncadd.remote.s32 $0x1  }
0xc5: {  	_ =	sfence.sel $0xFFFF  }
0xc6: {  	[dreg:$0x0] =	wrdreg $0xFFFFFFFF;
	(pc) =	sbr.abs _section_cstart, $3  }
0xc7: {  	[dreg:$0x1] =	wrdreg $0xFFFFFFFF  }
0xc8: {  	_ =	task.clear_ibuf [dreg:s8], $0x2FFFF;
	_ =	strace $0x9FFFFFFF  }
0xc9: {  	(tm) =	ssettm $0x7FFFFFFF  }
tec
execute0_lowered:
.L_overlay_start_1:
0x0: {  	(tag) =	ssettag $0x1  }
0x1: {  	s1 =	rddreg [dreg:$0x0]  }
0x2: {  	s4 =	rddreg [dreg:$0x1]  }
0x3: {  	s5 =	rddreg [dreg:$0x2];
	s3 =	srdreg.scid  }
0x4: {  	s0 =	rddreg [dreg:$0x3];
	s2 =	stileid.u32;
	s10 =	simm.s32 $0x1080  }
0x5: {  	s11 =	simm.s32 $0x1880;
	s12 =	simm.s32 $0x2080;
	s13 =	simm.s32 $0x2880  }
0x6: {  	s14 =	simm.s32 $0x3080;
	s15 =	simm.s32 $0x3880;
	s16 =	simm.s32 $0x4080  }
0x7: {  	s17 =	simm.s32 $0x4880;
	s18 =	simm.s32 $0x5080;
	s19 =	simm.s32 $0x5880  }
0x8: {  	s20 =	simm.s32 $0x6080;
	s21 =	simm.s32 $0x6880;
	s22 =	simm.s32 $0x7080  }
0x9: {  	s23 =	simm.s32 $0x7880;
	s24 =	simm.s32 $0x1;
	s6 =	sand.u32 $0x1, s3  }
0xa: {  	s3 =	simm.s32 $0x0;
	s7 =	sshll.u32 s2, $0x8;
	s8 =	sshll.u32 s6, $0x7  }
0xb: {  	[smem:$0x7FF] =	sst s3;
	s6 =	ssub.s32 $0x2, s6;
	s7 =	sor.u32 s8, s7  }
0xc: {  	_ =	strace $0x8000004A;
	s9 =	sshrl.u32 s6, $0x1;
	s8 =	sshll.u32 s7, $0x5  }
0xd: {  	v2 =	vlaneseq.u32;
	s6 =	ssub.s32 s6, s9;
	s7 =	sshrl.u32 s7, $0x3;
	s9 =	simm.s32 $0x880  }
0xe: {  	vm0 =	vmmov $0xffff;
	v1 =	vshrl.u32 v2, $0x3;
	s5 =	sadd.s32 s8, s5;
	s4 =	sadd.s32 s4, s7;
	s6 =	smax.u32 s6, $0x1  }
0xf: {  	v0 =	vand.u32 $0x7, v2;
	v2 =	vor.u32 $0x8, v2;
	v1 =	vmul.u32 $0x8, v1;
	s7 =	simm.s32 $0x2;
	s8 =	simm.s32 $0x80;
	s5 =	sadd.s32 $0x1E00, s5  }
.LBB2_1:
0x10: {  	[tilespmem:s3], [sflag:$0x2] =	stream.linear.gather [hbm4b:s4+s3], $0x80, $0x38;
	[tilespmem:$0x8080] =	vst v63  }
0x11: {  	_ =	swait.ge [sflag:s7], $0x80  }
0x12: {  	[sflag:s7] =	ssyncset.done $0x0  }
0x13: {  	[sflag:s7] =	ssyncadd.s32 $0xFFFFFF80  }
0x14: {  	v3 =	vld [tilespmem:$0x0];
	_ =	sdelay $0x4  }
0x15: {  	v4 =	vshll.u32 v3, $0x1  }
0x16: {  	v3 =	vand.u32 $0x7, v3;
	v4 =	vand.u32 $0xFFFFFFF0, v4  }
0x17: {  	v3 =	vor.u32 v3, v4  }
0x18: {  	v4 =	vperm.xlane v3, v0;
	_ =	sdelay $0x1  }
0x19: {  	v3 =	vperm.xlane v3, v2;
	v4 =	vadd.s32 v1, v4;
	_ =	sdelay $0x1  }
0x1a: {  	v3 =	vadd.s32 v1, v3;
	_ =	sdelay $0x2  }
0x1b: {  	[tilespmem:s8], [sflag:$0x1] =	stream.indirect_vreg.gather [hbm4b:s1+s3], $0x80, v4, vm0, $0xb8;
	[tilespmem:$0x8080] =	vst v63  }
0x1c: {  	_ = 	snop  }
0x1d: {  	[tilespmem:s9], [sflag:$0x1] =	stream.indirect_vreg.gather [hbm4b:s1+s3], $0x80, v3, vm0, $0xb8;
	[tilespmem:$0x8080] =	vst v63  }
0x1e: {  	v3 =	vld [tilespmem:$0x10];
	_ =	sdelay $0x4  }
0x1f: {  	v57 =	vshll.u32 v3, $0x1  }
0x20: {  	v3 =	vand.u32 $0x7, v3;
	v4 =	vand.u32 $0xFFFFFFF0, v57  }
0x21: {  	v3 =	vor.u32 v3, v4  }
0x22: {  	v4 =	vperm.xlane v3, v0;
	_ =	sdelay $0x1  }
0x23: {  	v3 =	vperm.xlane v3, v2;
	v4 =	vadd.s32 v1, v4;
	_ =	sdelay $0x1  }
0x24: {  	v3 =	vadd.s32 v1, v3;
	_ =	sdelay $0x2  }
0x25: {  	[tilespmem:s10], [sflag:$0x1] =	stream.indirect_vreg.gather [hbm4b:s1+s3], $0x80, v4, vm0, $0xb8;
	[tilespmem:$0x8080] =	vst v63  }
0x26: {  	_ = 	snop  }
0x27: {  	[tilespmem:s11], [sflag:$0x1] =	stream.indirect_vreg.gather [hbm4b:s1+s3], $0x80, v3, vm0, $0xb8;
	[tilespmem:$0x8080] =	vst v63  }
0x28: {  	v3 =	vld [tilespmem:$0x20];
	_ =	sdelay $0x4  }
0x29: {  	v58 =	vshll.u32 v3, $0x1  }
0x2a: {  	v3 =	vand.u32 $0x7, v3;
	v4 =	vand.u32 $0xFFFFFFF0, v58  }
0x2b: {  	v3 =	vor.u32 v3, v4  }
0x2c: {  	v4 =	vperm.xlane v3, v0;
	_ =	sdelay $0x1  }
0x2d: {  	v3 =	vperm.xlane v3, v2;
	v4 =	vadd.s32 v1, v4;
	_ =	sdelay $0x1  }
0x2e: {  	v3 =	vadd.s32 v1, v3;
	_ =	sdelay $0x2  }
0x2f: {  	[tilespmem:s12], [sflag:$0x1] =	stream.indirect_vreg.gather [hbm4b:s1+s3], $0x80, v4, vm0, $0xb8;
	[tilespmem:$0x8080] =	vst v63  }
0x30: {  	_ = 	snop  }
0x31: {  	[tilespmem:s13], [sflag:$0x1] =	stream.indirect_vreg.gather [hbm4b:s1+s3], $0x80, v3, vm0, $0xb8;
	[tilespmem:$0x8080] =	vst v63  }
0x32: {  	v3 =	vld [tilespmem:$0x30];
	_ =	sdelay $0x4  }
0x33: {  	v59 =	vshll.u32 v3, $0x1  }
0x34: {  	v3 =	vand.u32 $0x7, v3;
	v4 =	vand.u32 $0xFFFFFFF0, v59  }
0x35: {  	v3 =	vor.u32 v3, v4  }
0x36: {  	v4 =	vperm.xlane v3, v0;
	_ =	sdelay $0x1  }
0x37: {  	v3 =	vperm.xlane v3, v2;
	v4 =	vadd.s32 v1, v4;
	_ =	sdelay $0x1  }
0x38: {  	v3 =	vadd.s32 v1, v3;
	_ =	sdelay $0x2  }
0x39: {  	[tilespmem:s14], [sflag:$0x1] =	stream.indirect_vreg.gather [hbm4b:s1+s3], $0x80, v4, vm0, $0xb8;
	[tilespmem:$0x8080] =	vst v63  }
0x3a: {  	_ = 	snop  }
0x3b: {  	[tilespmem:s15], [sflag:$0x1] =	stream.indirect_vreg.gather [hbm4b:s1+s3], $0x80, v3, vm0, $0xb8;
	[tilespmem:$0x8080] =	vst v63  }
0x3c: {  	v3 =	vld [tilespmem:$0x40];
	_ =	sdelay $0x4  }
0x3d: {  	v60 =	vshll.u32 v3, $0x1  }
0x3e: {  	v3 =	vand.u32 $0x7, v3;
	v4 =	vand.u32 $0xFFFFFFF0, v60  }
0x3f: {  	v3 =	vor.u32 v3, v4  }
0x40: {  	v4 =	vperm.xlane v3, v0;
	_ =	sdelay $0x1  }
0x41: {  	v3 =	vperm.xlane v3, v2;
	v4 =	vadd.s32 v1, v4;
	_ =	sdelay $0x1  }
0x42: {  	v3 =	vadd.s32 v1, v3;
	_ =	sdelay $0x2  }
0x43: {  	[tilespmem:s16], [sflag:$0x1] =	stream.indirect_vreg.gather [hbm4b:s1+s3], $0x80, v4, vm0, $0xb8;
	[tilespmem:$0x8080] =	vst v63  }
0x44: {  	_ = 	snop  }
0x45: {  	[tilespmem:s17], [sflag:$0x1] =	stream.indirect_vreg.gather [hbm4b:s1+s3], $0x80, v3, vm0, $0xb8;
	[tilespmem:$0x8080] =	vst v63  }
0x46: {  	v3 =	vld [tilespmem:$0x50];
	_ =	sdelay $0x4  }
0x47: {  	v61 =	vshll.u32 v3, $0x1  }
0x48: {  	v3 =	vand.u32 $0x7, v3;
	v4 =	vand.u32 $0xFFFFFFF0, v61  }
0x49: {  	v3 =	vor.u32 v3, v4  }
0x4a: {  	v4 =	vperm.xlane v3, v0;
	_ =	sdelay $0x1  }
0x4b: {  	v3 =	vperm.xlane v3, v2;
	v4 =	vadd.s32 v1, v4;
	_ =	sdelay $0x1  }
0x4c: {  	v3 =	vadd.s32 v1, v3;
	_ =	sdelay $0x2  }
0x4d: {  	[tilespmem:s18], [sflag:$0x1] =	stream.indirect_vreg.gather [hbm4b:s1+s3], $0x80, v4, vm0, $0xb8;
	[tilespmem:$0x8080] =	vst v63  }
0x4e: {  	_ = 	snop  }
0x4f: {  	[tilespmem:s19], [sflag:$0x1] =	stream.indirect_vreg.gather [hbm4b:s1+s3], $0x80, v3, vm0, $0xb8;
	[tilespmem:$0x8080] =	vst v63  }
0x50: {  	v3 =	vld [tilespmem:$0x60];
	_ =	sdelay $0x4  }
0x51: {  	v62 =	vshll.u32 v3, $0x1  }
0x52: {  	v3 =	vand.u32 $0x7, v3;
	v4 =	vand.u32 $0xFFFFFFF0, v62  }
0x53: {  	v3 =	vor.u32 v3, v4  }
0x54: {  	v4 =	vperm.xlane v3, v0;
	_ =	sdelay $0x1  }
0x55: {  	v3 =	vperm.xlane v3, v2;
	v4 =	vadd.s32 v1, v4;
	_ =	sdelay $0x1  }
0x56: {  	v3 =	vadd.s32 v1, v3;
	_ =	sdelay $0x2  }
0x57: {  	[tilespmem:s20], [sflag:$0x1] =	stream.indirect_vreg.gather [hbm4b:s1+s3], $0x80, v4, vm0, $0xb8;
	[tilespmem:$0x8080] =	vst v63  }
0x58: {  	_ = 	snop  }
0x59: {  	[tilespmem:s21], [sflag:$0x1] =	stream.indirect_vreg.gather [hbm4b:s1+s3], $0x80, v3, vm0, $0xb8;
	[tilespmem:$0x8080] =	vst v63  }
0x5a: {  	v3 =	vld [tilespmem:$0x70];
	_ =	sdelay $0x4  }
0x5b: {  	v63 =	vshll.u32 v3, $0x1  }
0x5c: {  	v3 =	vand.u32 $0x7, v3;
	v4 =	vand.u32 $0xFFFFFFF0, v63  }
0x5d: {  	v3 =	vor.u32 v3, v4  }
0x5e: {  	v4 =	vperm.xlane v3, v0;
	_ =	sdelay $0x1  }
0x5f: {  	v3 =	vperm.xlane v3, v2;
	v4 =	vadd.s32 v1, v4;
	_ =	sdelay $0x1  }
0x60: {  	v3 =	vadd.s32 v1, v3;
	_ =	sdelay $0x2  }
0x61: {  	[tilespmem:s22], [sflag:$0x1] =	stream.indirect_vreg.gather [hbm4b:s1+s3], $0x80, v4, vm0, $0xb8;
	[tilespmem:$0x8080] =	vst v63  }
0x62: {  	_ = 	snop  }
0x63: {  	[tilespmem:s23], [sflag:$0x1] =	stream.indirect_vreg.gather [hbm4b:s1+s3], $0x80, v3, vm0, $0xb8;
	[tilespmem:$0x8080] =	vst v63  }
0x64: {  	_ =	swait.ge [sflag:s24], $0x8000  }
0x65: {  	p0 =	sne.s32 s6, $0x1;
	[sflag:s24] =	ssyncset.done $0x0  }
.Ltmp0:
0x66: {  	[sflag:s24] =	ssyncadd.s32 $0xFFFF8000;
	(pc) =	sbr.rel @p0 .LBB2_1-.Ltmp0, $4  }
0x67: {  	[hbm4b:s5+s3] =	stream.linear.scatter [tilespmem:s8], [sflag:$0x2], $0x8000, $0x38;
	[tilespmem:$0x8080] =	vst v63  }
0x68: {  	_ =	swait.ge [sflag:s7], $0x8000  }
0x69: {  	[sflag:s7] =	ssyncset.done $0x0  }
0x6a: {  	s6 =	sadd.s32 $0xFFFFFFFF, s6;
	[sflag:s7] =	ssyncadd.s32 $0xFFFF8000  }
0x6b: {  	_ =	sfence.sel $0x180000  }
0x6c: {  	[bflag:$0x0] =	sbarrier.arrive $0xFFFF  }
0x6d: {  	p0 =	sne.s32 s2, $0x0;
	_ =	strace $0x9000004A  }
0x6e: {  	s0 =	sadd.s32 @!p0 $0x100000, s0;
	[bflag:$0x2] =	sbarrier.arrive $0xFFFF  }
0x6f: {  	[sflag:s0] =	ssyncadd.tile.s32 @!p0 $0x1;
	_ =	shalt  }
.Lfunc_end2:
_tile_overlayer_lowered:
.L_overlay_start_2:
0x70: {  	(tag) =	ssettag $0x2  }
0x71: {  	s0 =	rddreg [dreg:$0x0];
	s2 =	stileid.u32  }
0x72: {  	s1 =	rddreg [dreg:$0x1];
	p0 =	sne.s32 s2, $0x0  }
0x73: {  	s3 =	rddreg [dreg:$0x2];
	[bflag:$0x3] =	sbarrier.arrive $0xFFFF;
	s2 =	simm.s32 @!p0 $0x1C02  }
0x74: {  	[timem:s3], [sflag:s2] =	dma.local @!p0 [hbm:s0], s1  }
0x75: {  	s0 =	simm.s32 @!p0 $0x2  }
0x76: {  	_ =	swait.ge @!p0 [sflag:s0], s1  }
0x77: {  	s1 =	ssub.s32 @!p0 $0x0, s1;
	[sflag:s0] =	ssyncset.done @!p0 $0x0  }
0x78: {  	[sflag:s0] =	ssyncadd.s32 @!p0 s1  }
0x79: {  	[bflag:$0x3] =	sbarrier.arrive $0xFFFF  }
0x7a: {  	_ =	shalt  }

// kernel: kernel.9.cloned.1.call-start
scs
__scs_entry_jumppad:
0x0: {  	(pc) =	sbr.rel $0x88, $3  }
0x1: {  	(tag) =	ssettag $0x0;
	lr =	simm.s32 $0x1  }
0x2: {  	[smem:$0x3F90] =	sst lr;
	_ =	strace $0xD0000000  }
0x3: {  	_ = 	snop  }
0x4: {  	_ = 	snop  }
0x5: {  	_ = 	snop  }
0x6: {  	_ = 	snop  }
0x7: {  	_ = 	snop  }
__scs_overlays_trampoline_lowered:
0x8: {  	[smem:$0x3F9F] =	sst s0  }
0x9: {  	[smem:$0x3FA0] =	sst s1  }
0xa: {  	[smem:$0x3FA1] =	sst s2  }
0xb: {  	[smem:$0x3FA2] =	sst s3  }
0xc: {  	[smem:$0x3FA3] =	sst s4  }
0xd: {  	[smem:$0x3FA4] =	sst s5  }
0xe: {  	[smem:$0x3FA5] =	sst s6  }
0xf: {  	[smem:$0x3FA6] =	sst s7  }
0x10: {  	[smem:$0x3FA7] =	sst s8  }
0x11: {  	[smem:$0x3FA8] =	sst s9;
	s0 =	simm.s32 @!p0 $0x0  }
0x12: {  	s1 =	sld [smem:$0x3F8E];
	s0 =	simm.s32 @p0 $0x1  }
0x13: {  	[smem:$0x3FA9] =	sst s0;
	s0 =	simm.s32 @!p1 $0x0  }
0x14: {  	s2 =	sld [smem:$0x3F8D];
	s0 =	simm.s32 @p1 $0x1  }
0x15: {  	[smem:$0x3FAA] =	sst s0;
	s0 =	simm.s32 @!p2 $0x0  }
0x16: {  	s3 =	sld [smem:$0x3FDB];
	s0 =	simm.s32 @p2 $0x1  }
0x17: {  	s4 =	simm.s32 $0x1BF5;
	[smem:$0x3FAC] =	sst s0  }
0x18: {  	s0 =	sld [smem:$0x3F8F];
	_ =	swait.ge [sflag:s4], $0x0  }
0x19: {  	s7 =	sld [smem:$0x3F90]  }
0x1a: {  	s8 =	sadd.s32 $0xFFFFE003, lr  }
0x1b: {  	s9 =	sadd.s32 $0xFFFFFEF7, lr;
	s5 =	simm.s32 $0xFFFFFFFF;
	p2 =	slt.u32 s8, $0xFFFFF086  }
0x1c: {  	p1 =	slt.u32 s9, $0xF7A;
	s5 =	simm.s32 @!p2 $0x0  }
0x1d: {  	s5 =	simm.s32 @p1 $0x1;
	p0 =	seq.s32 s7, s2  }
0x1e: {  	s7 =	smul.u32 @!p0 $0xF7A, s2;
	p2 =	seq.s32 @!p0 s5, $0x0  }
0x1f: {  	s9 =	smul.u32 $0xF7A, s1;
	s8 =	simm.s32 @!p0 $0x1BF5;
	p2 =	por !p2, p0  }
0x20: {  	[sflag:s8] =	ssyncset.s32 @!p0 $0xFFFFF086;
	s6 =	sadd.s32 @!p0 s3, s7;
	s7 =	simm.s32 @!p0 $0x108  }
0x21: {  	s3 =	sadd.s32 s3, s9;
	s6 =	sadd.s32 @!p0 $0x88, s6;
	s7 =	simm.s32 @p2 $0x1082  }
0x22: {  	[simem:s7], [sflag:s8] =	dma.local @!p0 [hbm:s6], $0xF7A  }
0x23: {  	s9 =	sor.u32 $0xD0000000, s2;
	s6 =	simm.s32 $0x108;
	_ =	swait.ge @!p0 [sflag:s8], $0x0  }
0x24: {  	s3 =	sadd.s32 $0x88, s3;
	s6 =	simm.s32 @!p1 $0x1082;
	[sflag:s4] =	ssyncset.s32 $0xFFFFF086  }
0x25: {  	[simem:s6], [sflag:s4] =	dma.local [hbm:s3], $0xF7A  }
0x26: {  	[smem:$0x3F90] =	sst s1;
	(tag) =	ssettag s2;
	_ =	strace s9  }
0x27: {  	s1 =	sld [smem:$0x3FA0]  }
0x28: {  	s2 =	sld [smem:$0x3FA1]  }
0x29: {  	s4 =	sld [smem:$0x3FA3]  }
0x2a: {  	p0 =	seq.s32 s5, $0x0;
	s5 =	sld [smem:$0x3FA4]  }
0x2b: {  	s6 =	sld [smem:$0x3FA5]  }
0x2c: {  	s7 =	sld [smem:$0x3FA6]  }
0x2d: {  	s3 =	simm.s32 $0x108;
	s8 =	sld [smem:$0x3FA7]  }
0x2e: {  	s3 =	simm.s32 @!p0 $0x1082;
	s9 =	sld [smem:$0x3FA8]  }
0x2f: {  	lr =	sadd.s32 s0, s3;
	s0 =	sld [smem:$0x3F9F]  }
0x30: {  	s3 =	sld [smem:$0x3FA2]  }
0x31: {  	[smem:$0x3FAB] =	sst s10  }
0x32: {  	s10 =	sld [smem:$0x3FA9];
	_ =	sdelay $0x3  }
0x33: {  	p0 =	seq.s32 s10, $0x1;
	s10 =	sld [smem:$0x3FAB];
	_ =	sdelay $0x3  }
0x34: {  	[smem:$0x3FAB] =	sst s10  }
0x35: {  	s10 =	sld [smem:$0x3FAA];
	_ =	sdelay $0x3  }
0x36: {  	p1 =	seq.s32 s10, $0x1;
	s10 =	sld [smem:$0x3FAB];
	_ =	sdelay $0x3  }
0x37: {  	[smem:$0x3FAB] =	sst s10  }
0x38: {  	s10 =	sld [smem:$0x3FAC]  }
0x39: {  	_ = 	snop;
	(pc) =	sbr.ind lr, $3  }
0x3a: {  	_ = 	snop  }
0x3b: {  	_ = 	snop  }
0x3c: {  	p2 =	seq.s32 s10, $0x1;
	s10 =	sld [smem:$0x3FAB]  }
0x3d: {  	_ =	shalt  }
0x3e: {  	_ =	shalt  }
0x3f: {  	_ =	shalt  }
0x40: {  	_ =	shalt  }
0x41: {  	_ =	shalt  }
0x42: {  	_ =	shalt  }
0x43: {  	_ =	shalt  }
0x44: {  	_ =	shalt  }
0x45: {  	_ =	shalt  }
0x46: {  	_ =	shalt  }
0x47: {  	_ =	shalt  }
0x48: {  	_ =	shalt  }
0x49: {  	_ =	shalt  }
0x4a: {  	_ =	shalt  }
0x4b: {  	_ =	shalt  }
0x4c: {  	_ =	shalt  }
0x4d: {  	_ =	shalt  }
0x4e: {  	_ =	shalt  }
0x4f: {  	_ =	shalt  }
0x50: {  	_ =	shalt  }
0x51: {  	_ =	shalt  }
0x52: {  	_ =	shalt  }
0x53: {  	_ =	shalt  }
0x54: {  	_ =	shalt  }
0x55: {  	_ =	shalt  }
0x56: {  	_ =	shalt  }
0x57: {  	_ =	shalt  }
0x58: {  	_ =	shalt  }
0x59: {  	_ =	shalt  }
0x5a: {  	_ =	shalt  }
0x5b: {  	_ =	shalt  }
0x5c: {  	_ =	shalt  }
0x5d: {  	_ =	shalt  }
0x5e: {  	_ =	shalt  }
0x5f: {  	_ =	shalt  }
0x60: {  	_ =	shalt  }
0x61: {  	_ =	shalt  }
0x62: {  	_ =	shalt  }
0x63: {  	_ =	shalt  }
0x64: {  	_ =	shalt  }
0x65: {  	_ =	shalt  }
0x66: {  	_ =	shalt  }
0x67: {  	_ =	shalt  }
0x68: {  	_ =	shalt  }
0x69: {  	_ =	shalt  }
0x6a: {  	_ =	shalt  }
0x6b: {  	_ =	shalt  }
0x6c: {  	_ =	shalt  }
0x6d: {  	_ =	shalt  }
0x6e: {  	_ =	shalt  }
0x6f: {  	_ =	shalt  }
0x70: {  	_ =	shalt  }
0x71: {  	_ =	shalt  }
0x72: {  	_ =	shalt  }
0x73: {  	_ =	shalt  }
0x74: {  	_ =	shalt  }
0x75: {  	_ =	shalt  }
0x76: {  	_ =	shalt  }
0x77: {  	_ =	shalt  }
0x78: {  	_ =	shalt  }
0x79: {  	_ =	shalt  }
0x7a: {  	_ =	shalt  }
0x7b: {  	_ =	shalt  }
0x7c: {  	_ =	shalt  }
0x7d: {  	_ =	shalt  }
0x7e: {  	_ =	shalt  }
0x7f: {  	_ =	shalt  }
0x80: {  	_ =	shalt  }
0x81: {  	_ =	shalt  }
0x82: {  	_ =	shalt  }
0x83: {  	_ =	shalt  }
0x84: {  	_ =	shalt  }
0x85: {  	_ =	shalt  }
0x86: {  	_ =	shalt  }
0x87: {  	_ =	shalt  }
.Lfunc_end0:
.L_simem_size_0:
called_computation_lowered:
.L_overlay_start_0:
0x88: {  	s2 =	sld [smem:$0x3FD9]  }
0x89: {  	s3 =	sld [smem:$0x3FFE];
	_ =	sdelay $0x1  }
0x8a: {  	s1 =	srdreg.scid  }
0x8b: {  	s0 =	sand.u32 $0x1, s1  }
0x8c: {  	s14 =	sshll.u32 s0, $0xA;
	s2 =	sadd.s32 s3, s2  }
0x8d: {  	s2 =	sadd.s32 s2, s14  }
0x8e: {  	[smem:$0x3FB7] =	sst s2  }
0x8f: {  	_ = 	snop  }
0x90: {  	s2 =	sld [smem:$0x3FD0];
	_ =	sdelay $0x2  }
0x91: {  	s15 =	simm.s32 $0xA;
	s4 =	simm.s32 $0x10  }
0x92: {  	[smem:s4], [sflag:s15] =	dma.local [hbm:s2], $0x1  }
0x93: {  	_ =	swait.eq [sflag:s15], $0x1  }
0x94: {  	s16 =	sld [smem:$0x10]  }
0x95: {  	s17 =	sld [smem:$0x11]  }
0x96: {  	s5 =	sld [smem:$0x13];
	[sflag:s15] =	ssyncset.done $0x0  }
0x97: {  	s6 =	sld [smem:$0x14];
	[sflag:s15] =	ssyncadd.s32 $0xFFFFFFFF  }
0x98: {  	s18 =	sld [smem:$0x15];
	(tm) =	ssettm $0x1  }
0x99: {  	s7 =	sld [smem:$0x3FFB];
	_ =	sdelay $0x3  }
0x9a: {  	_ =	strace s7  }
0x9b: {  	s7 =	sld [smem:$0x3FFC];
	_ =	sdelay $0x3  }
0x9c: {  	_ =	strace s7  }
0x9d: {  	s7 =	sld [smem:$0x3FFD];
	_ =	sdelay $0x3  }
0x9e: {  	_ =	strace s7  }
0x9f: {  	_ =	strace $0x8FFFFFFF  }
0xa0: {  	s19 =	sld [smem:$0x3FDB];
	_ =	sdelay $0x1  }
0xa1: {  	s8 =	simm.s32 $_scs_section_size  }
0xa2: {  	s9 =	simm.s32 $_size__tile_overlayer_lowered;
	s10 =	simm.s32 $_tile_overlayer_lowered  }
0xa3: {  	s22 =	simm.s32 $0x1BFF;
	s21 =	sshll.u32 s10, $0x1;
	s7 =	sadd.s32 s8, s19  }
0xa4: {  	s11 =	simm.s32 $0x0;
	s20 =	sshll.u32 s9, $0x1;
	s9 =	sadd.s32 s21, s7  }
0xa5: {  	[timem:s11], [sflag:s22] =	dma.local [hbm:s9], s20  }
0xa6: {  	_ =	swait.ge [sflag:s22], s20  }
0xa7: {  	s8 =	ssub.s32 $0x0, s20;
	[sflag:s22] =	ssyncset.done $0x0  }
0xa8: {  	[sflag:s22] =	ssyncadd.s32 s8;
	_ =	sdelay $0x1  }
0xa9: {  	s23 =	simm.s32 $0x1B8B  }
0xaa: {  	_ =	swait.ge [sflag:s23], $0x1  }
0xab: {  	[sflag:s23] =	ssyncset.done $0x0  }
0xac: {  	s25 =	simm.s32 $0x1B8E;
	s24 =	sld [smem:$0x3FFE];
	[sflag:s23] =	ssyncadd.s32 $0xFFFFFFFF  }
0xad: {  	s26 =	simm.s32 $execute0_lowered;
	[smem:$0x3FD2] =	sst s25  }
0xae: {  	s9 =	sshll.u32 s26, $0x1;
	_ =	strace $0x80000046;
	[dreg:$0x1] =	wrdreg $0xFFFFFFFF  }
0xaf: {  	s28 =	simm.s32 $_size_execute0_lowered;
	s7 =	sadd.s32 s7, s9;
	[dreg:$0x0] =	wrdreg $0x0  }
0xb0: {  	s9 =	sshll.u32 s28, $0x1;
	[dreg:$0x2] =	wrdreg s7  }
0xb1: {  	[dreg:$0x3] =	wrdreg s9  }
0xb2: {  	[dreg:$0x4] =	wrdreg $0xC0  }
0xb3: {  	_ =	task [dreg:s11], $0x5FFFF  }
0xb4: {  	[dreg:$0x1] =	wrdreg $0xFFFFFFFF  }
0xb5: {  	[dreg:$0x0] =	wrdreg $0x60  }
0xb6: {  	[dreg:$0x2] =	wrdreg s18  }
0xb7: {  	[dreg:$0x3] =	wrdreg s5  }
0xb8: {  	[dreg:$0x4] =	wrdreg s24  }
0xb9: {  	[dreg:$0x5] =	wrdreg s16  }
0xba: {  	[dreg:$0x6] =	wrdreg s6  }
0xbb: {  	[dreg:$0x7] =	wrdreg s17  }
0xbc: {  	[dreg:$0x8] =	wrdreg $0x9  }
0xbd: {  	_ =	task.clear_ibuf [dreg:s11], $0x9FFFF;
	_ =	strace $0x90000046  }
0xbe: {  	s29 =	simm.s32 $0x9;
	_ =	strace $0x80000048  }
0xbf: {  	_ =	swait.ge [sflag:s29], $0x1  }
0xc0: {  	[sflag:s29] =	ssyncadd.s32 $0xFFFFFFFF  }
0xc1: {  	_ =	strace $0x90000048  }
0xc2: {  	_ =	sfence  }
0xc3: {  	s30 =	sld [smem:$0x0];
	_ =	sdelay $0x2  }
0xc4: {  	s31 =	sshll.u32 s1, $0xD;
	s1 =	sshrl.u32 s1, $0x2  }
0xc5: {  	s3 =	sand.u32 $0x4000, s31;
	s1 =	sadd.s32 s1, s30  }
0xc6: {  	s0 =	sor.u32 s3, s0;
	s1 =	sshll.u32 s1, $0x11  }
0xc7: {  	s0 =	sor.u32 s1, s0  }
0xc8: {  	s0 =	sadd.s32 $0x8F2B, s0  }
0xc9: {  	[sflag:s0] =	ssyncadd.remote.s32 $0x1  }
0xca: {  	_ =	sfence.sel $0xFFFF  }
0xcb: {  	[dreg:$0x0] =	wrdreg $0xFFFFFFFF;
	(pc) =	sbr.abs _section_cstart, $3  }
0xcc: {  	[dreg:$0x1] =	wrdreg $0xFFFFFFFF  }
0xcd: {  	_ =	task.clear_ibuf [dreg:s11], $0x2FFFF;
	_ =	strace $0x9FFFFFFF  }
0xce: {  	(tm) =	ssettm $0x7FFFFFFF  }
0xcf: {  	_ =	shalt  }
tec
execute0_lowered:
.L_overlay_start_1:
0x0: {  	(tag) =	ssettag $0x1  }
0x1: {  	s10 =	rddreg [dreg:$0x0]  }
0x2: {  	s3 =	rddreg [dreg:$0x1];
	s1 =	stileid.u32  }
0x3: {  	s4 =	rddreg [dreg:$0x2];
	p0 =	sgt.u32 s1, $0x1  }
.Ltmp0:
0x4: {  	s5 =	rddreg [dreg:$0x3];
	(pc) =	sbr.rel @p0 .LBB2_7-.Ltmp0, $4  }
0x5: {  	s6 =	rddreg [dreg:$0x4]  }
0x6: {  	s7 =	rddreg [dreg:$0x5];
	s2 =	simm.s32 $0x0  }
0x7: {  	[smem:$0x7FF] =	sst s2  }
0x8: {  	s0 =	rddreg [dreg:$0x6];
	_ =	strace $0x80000047  }
0x9: {  	s8 =	srdreg.scid  }
0xa: {  	s9 =	sshll.u32 s1, $0x5;
	s14 =	simm.s32 $0x1;
	s15 =	simm.s32 $0x5500  }
0xb: {  	s16 =	simm.s32 $0xAA00;
	s17 =	simm.s32 $0xFF00;
	s8 =	sand.u32 $0x1, s8  }
0xc: {  	s18 =	simm.s32 $0x15400;
	s19 =	simm.s32 $0x15800;
	s11 =	sshll.u32 s8, $0x4  }
0xd: {  	s20 =	simm.s32 $0x15C00;
	s12 =	ssub.s32 $0x2, s8;
	s11 =	sor.u32 s11, s9  }
0xe: {  	s21 =	simm.s32 $0x16000;
	s13 =	sshrl.u32 s12, $0x1;
	s9 =	sadd.s32 s11, s4  }
0xf: {  	s3 =	sadd.s32 s3, s11;
	s5 =	sadd.s32 s5, s11;
	s6 =	sadd.s32 s6, s11  }
0x10: {  	s7 =	sadd.s32 s7, s11;
	s12 =	ssub.s32 s12, s13;
	s10 =	sadd.s32 s10, s11  }
0x11: {  	s13 =	simm.s32 $0x200;
	s4 =	sadd.s32 $0x1E00, s9;
	s8 =	sadd.s32 $0x4A00, s9  }
0x12: {  	v0 =	vimm.f32 $0.0e+00;
	v1 =	vimm.f32 $-3.000000010e+38;
	v2 =	vlaneseq.u32;
	s9 =	sadd.s32 $0x4C00, s9;
	s11 =	smax.u32 s12, $0x1;
	s12 =	simm.s32 $0x80  }
.LBB2_2:
0x13: {  	s22 =	simm.s32 $0x0  }
0x14: {  	[tilespmem:s22], [sflag:$0x1] =	stream.strided.gather [hbm4b:s10+s12], $0x5500, s13, s12, $0x38;
	[tilespmem:$0x16400] =	vst v63  }
0x15: {  	_ =	swait.ge [sflag:s14], $0x5500  }
0x16: {  	[sflag:s14] =	ssyncset.done $0x0  }
0x17: {  	[sflag:s14] =	ssyncadd.s32 $0xFFFFAB00  }
0x18: {  	[tilespmem:s15], [sflag:$0x1] =	stream.strided.gather [hbm4b:s3+s12], $0x5500, s13, s12, $0x38;
	[tilespmem:$0x16400] =	vst v63  }
0x19: {  	_ =	swait.ge [sflag:s14], $0x5500  }
0x1a: {  	[sflag:s14] =	ssyncset.done $0x0  }
0x1b: {  	[sflag:s14] =	ssyncadd.s32 $0xFFFFAB00  }
0x1c: {  	[tilespmem:s16], [sflag:$0x1] =	stream.strided.gather [hbm4b:s4+s12], $0x5500, s13, s12, $0x38;
	[tilespmem:$0x16400] =	vst v63  }
0x1d: {  	_ =	swait.ge [sflag:s14], $0x5500  }
0x1e: {  	[sflag:s14] =	ssyncset.done $0x0  }
0x1f: {  	[sflag:s14] =	ssyncadd.s32 $0xFFFFAB00  }
0x20: {  	[tilespmem:s17], [sflag:$0x1] =	stream.strided.gather [hbm4b:s5+s12], $0x5500, s13, s12, $0x38;
	[tilespmem:$0x16400] =	vst v63  }
0x21: {  	_ =	swait.ge [sflag:s14], $0x5500  }
0x22: {  	[sflag:s14] =	ssyncset.done $0x0  }
0x23: {  	s23 =	simm.s32 $0x0;
	[sflag:s14] =	ssyncadd.s32 $0xFFFFAB00  }
.LBB2_3:
0x24: {  	p0 =	sne.s32 s23, $0xFC0  }
.Ltmp1:
0x25: {  	s24 =	sshra.s32 s23, $0x2;
	(pc) =	sbr.rel @p0 .LBB2_3-.Ltmp1, $4  }
0x26: {  	[tilespmem:s24+$0x15400] =	vst v0  }
0x27: {  	[tilespmem:s24+$0x15800] =	vst v1  }
0x28: {  	[tilespmem:s24+$0x15C00] =	vst v0  }
0x29: {  	s23 =	sadd.s32 $0x40, s23;
	[tilespmem:s24+$0x16000] =	vst v0  }
0x2a: {  	v3 =	vld [tilespmem:s22+$0x0];
	_ =	sdelay $0x4  }
0x2b: {  	v4 =	vtrunc.f32 v3  }
0x2c: {  	vm0 =	vge.f32 v3, $0.0e+00;
	v3 =	vcvt.f32.s32 v4;
	_ =	sdelay $0x2  }
0x2d: {  	v4 =	vor.u32 s22, v2  }
0x2e: {  	v4 =	vcvt.s32.f32 v4;
	_ =	sdelay $0x1  }
0x2f: {  	s23 =	simm.s32 $0x5500;
	[tilespmem:v3+s18+$0x0] =	vst.idx.msk vm0, v4  }
0x30: {  	v4 =	vld [tilespmem:s23+$0x0];
	_ =	sdelay $0x4  }
0x31: {  	s24 =	simm.s32 $0xAA00;
	[tilespmem:v3+s19+$0x0] =	vst.idx.msk vm0, v4  }
0x32: {  	v4 =	vld [tilespmem:s24+$0x0];
	_ =	sdelay $0x4  }
0x33: {  	s26 =	simm.s32 $0xFF00;
	[tilespmem:v3+s20+$0x0] =	vst.idx.msk vm0, v4  }
0x34: {  	v4 =	vld [tilespmem:s26+$0x0];
	_ =	sdelay $0x3  }
0x35: {  	s25 =	simm.s32 $0x10;
	s26 =	simm.s32 $0xFF10  }
.LBB2_5:
0x36: {  	[tilespmem:v3+s21+$0x0] =	vst.idx.msk vm0, v4;
	s22 =	sadd.s32 $0x10, s22;
	s23 =	sadd.s32 $0x10, s23;
	s24 =	sadd.s32 $0x10, s24  }
0x37: {  	p0 =	sne.s32 s25, $0x54F0;
	s28 =	smov.u32 s25;
	s25 =	sadd.s32 $0x10, s25;
	v3 =	vld [tilespmem:s22+$0x0]  }
0x38: {  	_ =	sdelay $0x3  }
0x39: {  	v4 =	vtrunc.f32 v3  }
0x3a: {  	vm0 =	vge.f32 v3, $0.0e+00;
	v3 =	vcvt.f32.s32 v4;
	_ =	sdelay $0x2  }
0x3b: {  	v4 =	vor.u32 s28, v2  }
0x3c: {  	v4 =	vcvt.s32.f32 v4;
	_ =	sdelay $0x1  }
0x3d: {  	[tilespmem:v3+s18+$0x0] =	vst.idx.msk vm0, v4  }
0x3e: {  	v4 =	vld [tilespmem:s23+$0x0];
	_ =	sdelay $0x4  }
0x3f: {  	[tilespmem:v3+s19+$0x0] =	vst.idx.msk vm0, v4  }
0x40: {  	v4 =	vld [tilespmem:s24+$0x0];
	_ =	sdelay $0x4  }
0x41: {  	[tilespmem:v3+s20+$0x0] =	vst.idx.msk vm0, v4  }
.Ltmp2:
0x42: {  	v4 =	vld [tilespmem:s26+$0x0];
	(pc) =	sbr.rel @p0 .LBB2_5-.Ltmp2, $2  }
0x43: {  	_ =	sdelay $0x2  }
0x44: {  	s26 =	sadd.s32 $0x10, s26  }
0x45: {  	_ =	sdelay $0x4  }
0x46: {  	[tilespmem:v3+s21+$0x0] =	vst.idx.msk vm0, v4  }
0x47: {  	[hbm4b:s6+s12] =	stream.strided.scatter [tilespmem:s18], [sflag:$0x1], $0x400, s13, s12, $0x38;
	[tilespmem:$0x16400] =	vst v63  }
0x48: {  	_ =	swait.ge [sflag:s14], $0x400  }
0x49: {  	[sflag:s14] =	ssyncset.done $0x0  }
0x4a: {  	[sflag:s14] =	ssyncadd.s32 $0xFFFFFC00  }
0x4b: {  	[hbm4b:s7+s12] =	stream.strided.scatter [tilespmem:s19], [sflag:$0x1], $0x400, s13, s12, $0x38;
	[tilespmem:$0x16400] =	vst v63  }
0x4c: {  	_ =	swait.ge [sflag:s14], $0x400  }
0x4d: {  	[sflag:s14] =	ssyncset.done $0x0  }
0x4e: {  	[sflag:s14] =	ssyncadd.s32 $0xFFFFFC00  }
0x4f: {  	[hbm4b:s8+s12] =	stream.strided.scatter [tilespmem:s20], [sflag:$0x1], $0x400, s13, s12, $0x38;
	[tilespmem:$0x16400] =	vst v63  }
0x50: {  	s2 =	sadd.s32 $0x1, s2;
	_ =	swait.ge [sflag:s14], $0x400  }
0x51: {  	p0 =	sne.s32 s2, s11;
	[sflag:s14] =	ssyncset.done $0x0  }
.Ltmp3:
0x52: {  	[sflag:s14] =	ssyncadd.s32 $0xFFFFFC00;
	(pc) =	sbr.rel @p0 .LBB2_2-.Ltmp3, $4  }
0x53: {  	[hbm4b:s9+s12] =	stream.strided.scatter [tilespmem:s21], [sflag:$0x1], $0x400, s13, s12, $0x38;
	[tilespmem:$0x16400] =	vst v63  }
0x54: {  	_ =	swait.ge [sflag:s14], $0x400  }
0x55: {  	[sflag:s14] =	ssyncset.done $0x0  }
0x56: {  	[sflag:s14] =	ssyncadd.s32 $0xFFFFFC00  }
.LBB2_7:
0x57: {  	_ =	sfence.sel $0x180000  }
0x58: {  	[bflag:$0x0] =	sbarrier.arrive $0xFFFF  }
0x59: {  	p0 =	sne.s32 s1, $0x0;
	_ =	strace $0x90000047  }
0x5a: {  	s0 =	sadd.s32 @!p0 $0x100000, s0;
	[bflag:$0x2] =	sbarrier.arrive $0xFFFF  }
0x5b: {  	[sflag:s0] =	ssyncadd.tile.s32 @!p0 $0x1;
	_ =	shalt  }
.Lfunc_end2:
_tile_overlayer_lowered:
.L_overlay_start_2:
0x5c: {  	(tag) =	ssettag $0x2  }
0x5d: {  	s0 =	rddreg [dreg:$0x0];
	s2 =	stileid.u32  }
0x5e: {  	s1 =	rddreg [dreg:$0x1];
	p0 =	sne.s32 s2, $0x0  }
0x5f: {  	s3 =	rddreg [dreg:$0x2];
	[bflag:$0x3] =	sbarrier.arrive $0xFFFF;
	s2 =	simm.s32 @!p0 $0x1C01  }
0x60: {  	[timem:s3], [sflag:s2] =	dma.local @!p0 [hbm:s0], s1  }
0x61: {  	s0 =	simm.s32 @!p0 $0x1  }
0x62: {  	_ =	swait.ge @!p0 [sflag:s0], s1  }
0x63: {  	s1 =	ssub.s32 @!p0 $0x0, s1;
	[sflag:s0] =	ssyncset.done @!p0 $0x0  }
0x64: {  	[sflag:s0] =	ssyncadd.s32 @!p0 s1  }
0x65: {  	[bflag:$0x3] =	sbarrier.arrive $0xFFFF  }
0x66: {  	_ =	shalt  }

</sc_bundles>
